<compile_context>
chip_gen: v7x
topology: tpu7x:2x2x1
jax: 0.10.2.dev20260603
libtpu: 0.0.44.dev20260713+nightly
codegen_flags: <defaults>
</compile_context>

<pallas_src>
import functools

import numpy as np
import jax
from jax import lax
import jax.numpy as jnp
from jax.experimental import pallas as pl
from jax.experimental.pallas import tpu as pltpu
from jax.experimental.pallas import tpu_sc as plsc

B, S, D, H, E, K = 2, 2048, 768, 12, 64, 2
DH = D // H
D3 = 3 * D
BK = B * K
H2 = H // 2
DECAY = 0.99

_F32 = jnp.float32
_BF16 = jnp.bfloat16

_QSCALE = float(np.log2(np.e) / np.sqrt(DH))


def _dot_t(a, b):
    return jax.lax.dot_general(
        a, b, (((1,), (1,)), ((), ())), preferred_element_type=_F32)


def _dot(a, b):
    return jax.lax.dot_general(
        a, b, (((1,), (0,)), ((), ())), preferred_element_type=_F32)


def _gate_kernel(x_ref, gw_ref, pooled_ref):
    xbar = jnp.mean(x_ref[...], axis=1)
    pooled_ref[...] = jax.lax.dot_general(
        xbar, gw_ref[...], (((1,), (1,)), ((), ())),
        preferred_element_type=_F32,
        precision=jax.lax.Precision.HIGHEST)


_SC_L = 16
_EC = E // _SC_L


def _all_lanes(scr, v, op, iota):
    for sh in (1, 2, 4, 8):
        scr[...] = v
        v = op(v, plsc.load_gather(scr, [jnp.bitwise_xor(iota, sh)]))
    return v


def _router_sc_body(pooled_hbm, idx_out, probs_out, aux_out, pv, iv, pbv, av,
                    scf_, sci_):
    mesh_nc = 2
    wid = lax.axis_index("s") * mesh_nc + lax.axis_index("c")

    @pl.when(wid == 0)
    def _():
        pltpu.sync_copy(pooled_hbm, pv)
        iota = lax.iota(jnp.int32, _SC_L)
        sel = []
        for b in range(B):
            c = [pv[pl.ds(b * E + j * _SC_L, _SC_L)] for j in range(_EC)]
            m = c[0]
            for j in range(1, _EC):
                m = jnp.maximum(m, c[j])
            m1 = _all_lanes(scf_, m, jnp.maximum, iota)
            cand = jnp.where(c[0] == m1, iota, E)
            for j in range(1, _EC):
                cand = jnp.minimum(
                    cand, jnp.where(c[j] == m1, iota + _SC_L * j, E))
            i1 = _all_lanes(sci_, cand, jnp.minimum, iota)
            cm = [jnp.where(iota + _SC_L * j == i1, -jnp.inf, c[j])
                  for j in range(_EC)]
            m2v = cm[0]
            for j in range(1, _EC):
                m2v = jnp.maximum(m2v, cm[j])
            m2 = _all_lanes(scf_, m2v, jnp.maximum, iota)
            cand2 = jnp.where(cm[0] == m2, iota, E)
            for j in range(1, _EC):
                cand2 = jnp.minimum(
                    cand2, jnp.where(cm[j] == m2, iota + _SC_L * j, E))
            i2 = _all_lanes(sci_, cand2, jnp.minimum, iota)
            sel.append((i1, i2, m2 - m1))

        (i1_0, i2_0, d0), (i1_1, i2_1, d1) = sel
        dv = jnp.where(iota == 1, d0, jnp.where(iota == 3, d1, 0.0))
        ev = jnp.exp(dv)
        scf_[...] = ev
        e0 = plsc.load_gather(scf_, [jnp.full((_SC_L,), 1, jnp.int32)])
        e1 = plsc.load_gather(scf_, [jnp.full((_SC_L,), 3, jnp.int32)])
        num = jnp.where((iota == 0) | (iota == 2), 1.0, ev)
        den = jnp.where(iota < 2, 1.0 + e0, 1.0 + e1)
        pbv[...] = num / den
        iv[...] = jnp.where(
            iota == 0, i1_0,
            jnp.where(iota == 1, i2_0,
                      jnp.where(iota == 2, i1_1,
                                jnp.where(iota == 3, i2_1, 0))))

        emas = []
        s_acc = jnp.zeros((_SC_L,), _F32)
        for j in range(_EC):
            ii = iota + _SC_L * j
            cnt = ((ii == i1_0).astype(_F32) + (ii == i2_0).astype(_F32)
                   + (ii == i1_1).astype(_F32) + (ii == i2_1).astype(_F32))
            ema = cnt * ((1.0 - DECAY) / B)
            emas.append(ema)
            s_acc = s_acc + ema
        s_all = _all_lanes(scf_, s_acc, jnp.add, iota)
        ssq = jnp.zeros((_SC_L,), _F32)
        for j in range(_EC):
            pj = emas[j] / (s_all + 1e-9)
            ssq = ssq + pj * pj
        ssq_all = _all_lanes(scf_, ssq, jnp.add, iota)
        av[...] = jnp.where(iota == 0, ssq_all * E, 0.0)

        pltpu.sync_copy(iv, idx_out)
        pltpu.sync_copy(pbv, probs_out)
        pltpu.sync_copy(av, aux_out)


def _router_sc(pooled_flat):
    mesh = plsc.VectorSubcoreMesh(core_axis_name="c", subcore_axis_name="s")
    fn = functools.partial(
        pl.kernel, mesh=mesh,
        compiler_params=pltpu.CompilerParams(needs_layout_passes=False),
        out_type=(
            jax.ShapeDtypeStruct((_SC_L,), jnp.int32),
            jax.ShapeDtypeStruct((_SC_L,), _F32),
            jax.ShapeDtypeStruct((_SC_L,), _F32),
        ),
        scratch_types=[
            pltpu.VMEM((B * E,), _F32),
            pltpu.VMEM((_SC_L,), jnp.int32),
            pltpu.VMEM((_SC_L,), _F32),
            pltpu.VMEM((_SC_L,), _F32),
            pltpu.VMEM((_SC_L,), _F32),
            pltpu.VMEM((_SC_L,), jnp.int32),
        ],
    )(_router_sc_body)
    return fn(pooled_flat)


def _qkv_kernel(idx_ref, probs_ref, x_ref, w_ref, b_ref, out_ref):
    del idx_ref, probs_ref
    x = x_ref[0].astype(_BF16)
    w = w_ref[0].astype(_BF16)
    qkv = _dot_t(x, w) + b_ref[0]
    qscale = jnp.where(
        jax.lax.broadcasted_iota(jnp.int32, (1, D3), 1) < D, _QSCALE, 1.0)
    out_ref[0] = (qkv * qscale).astype(_BF16)


def _attn_out_kernel(idx_ref, probs_ref, q_ref, k_ref, v_ref, wo_ref, bo_ref,
                     y_ref, oacc_ref):
    del idx_ref
    b = pl.program_id(0)
    slot = pl.program_id(2)
    h = pl.program_id(3)
    prob = probs_ref[b * K + slot]
    qq = q_ref[0]
    kk = k_ref[0]
    vv = v_ref[0]
    ones = jnp.ones((S, DH), _BF16)
    os_ = []
    for i in range(2):
        q = qq[:, i * DH:(i + 1) * DH]
        k = kk[:, i * DH:(i + 1) * DH]
        v = vv[:, i * DH:(i + 1) * DH]
        s = _dot_t(q, k)
        p = jnp.exp2(s).astype(_BF16)
        ov = _dot(p, jnp.concatenate([v, ones], axis=1))
        o = ov[:, :DH]
        l = ov[:, DH:DH + 1]
        os_.append((o * (prob / l)).astype(_BF16))
    oacc_ref[:, pl.ds(h * 2 * DH, 2 * DH)] = jnp.concatenate(os_, axis=1)

    @pl.when(h == H2 - 1)
    def _():
        contrib = _dot_t(oacc_ref[...], wo_ref[0].astype(_BF16))
        bias = bo_ref[0] * prob

        @pl.when(slot == 0)
        def _():
            y_ref[0] = contrib + bias

        @pl.when(slot != 0)
        def _():
            y_ref[0] = y_ref[0] + contrib + bias


def kernel(x, causal_mask, gate_w, in_proj_w, in_proj_b, out_w, out_b):
    pooled = pl.pallas_call(
        _gate_kernel,
        out_shape=jax.ShapeDtypeStruct((B, E), _F32),
    )(x, gate_w)

    idx16, probs16, aux16 = _router_sc(pooled.reshape(-1))
    idx_flat = idx16[:BK]
    probs_flat = probs16[:BK]
    aux_lb_loss = aux16[0]

    b3 = in_proj_b.reshape(E, 1, D3)
    bo3 = out_b.reshape(E, 1, D)

    ST = 512
    qkv = pl.pallas_call(
        _qkv_kernel,
        grid_spec=pltpu.PrefetchScalarGridSpec(
            num_scalar_prefetch=2,
            grid=(BK, S // ST),
            in_specs=[
                pl.BlockSpec((1, ST, D), lambda bk, si, idx, p: (bk // K, si, 0)),
                pl.BlockSpec((1, D3, D), lambda bk, si, idx, p: (idx[bk], 0, 0)),
                pl.BlockSpec((1, 1, D3), lambda bk, si, idx, p: (idx[bk], 0, 0)),
            ],
            out_specs=pl.BlockSpec((1, ST, D3), lambda bk, si, idx, p: (bk, si, 0)),
        ),
        out_shape=jax.ShapeDtypeStruct((BK, S, D3), _BF16),
    )(idx_flat, probs_flat, x, in_proj_w, b3)

    SQ = 2048
    y = pl.pallas_call(
        _attn_out_kernel,
        grid_spec=pltpu.PrefetchScalarGridSpec(
            num_scalar_prefetch=2,
            grid=(B, S // SQ, K, H2),
            in_specs=[
                pl.BlockSpec((1, SQ, 2 * DH),
                             lambda b, qi, k, h, idx, p: (b * K + k, qi, h)),
                pl.BlockSpec((1, S, 2 * DH),
                             lambda b, qi, k, h, idx, p: (b * K + k, 0, H2 + h)),
                pl.BlockSpec((1, S, 2 * DH),
                             lambda b, qi, k, h, idx, p: (b * K + k, 0, 2 * H2 + h)),
                pl.BlockSpec((1, D, D),
                             lambda b, qi, k, h, idx, p: (idx[b * K + k], 0, 0)),
                pl.BlockSpec((1, 1, D),
                             lambda b, qi, k, h, idx, p: (idx[b * K + k], 0, 0)),
            ],
            out_specs=pl.BlockSpec((1, SQ, D),
                                   lambda b, qi, k, h, idx, p: (b, qi, 0)),
            scratch_shapes=[pltpu.VMEM((SQ, D), _BF16)],
        ),
        out_shape=jax.ShapeDtypeStruct((B, S, D), _F32),
    )(idx_flat, probs_flat, qkv, qkv, qkv, out_w, bo3)

    return y, aux_lb_loss

# --- scband reference (transcript-rebuilt; emitter-appended) ---
"""Pipeline reference for scband-mo-eself-attention-15779709845532 (READ-ONLY COPY).

The authoritative reference and input builder live on the scoring server;
editing this copy changes nothing except your own understanding.
"""

import jax, jax.numpy as jnp
import numpy as np

B, S, D, H, E, K = 2, 2048, 768, 12, 64, 2
DH = D // H
DECAY = 0.99


def setup_inputs(seed: int = 0) -> dict:
    key = jax.random.key(seed)
    ks = jax.random.split(key, 6)
    x = jax.random.normal(ks[0], (B, S, D), dtype=jnp.float32)
    causal_mask = jnp.zeros((S, S), dtype=jnp.float32)
    gate_w = jax.random.normal(ks[1], (E, D), dtype=jnp.float32) * 0.02
    in_proj_w = jax.random.normal(ks[2], (E, 3 * D, D), dtype=jnp.float32) * (1.0 / np.sqrt(D))
    in_proj_b = jnp.zeros((E, 3 * D), dtype=jnp.float32)
    out_w = jax.random.normal(ks[3], (E, D, D), dtype=jnp.float32) * (1.0 / np.sqrt(D))
    out_b = jnp.zeros((E, D), dtype=jnp.float32)
    return {"x": x, "causal_mask": causal_mask, "gate_w": gate_w,
            "in_proj_w": in_proj_w, "in_proj_b": in_proj_b,
            "out_w": out_w, "out_b": out_b}


def _expert_attn(x, mask, W, b, Wo, bo):
    # x: [B,S,D]; W: [B,3D,D] gathered per-batch expert weights; b: [B,3D]; Wo: [B,D,D]; bo: [B,D]
    qkv = jnp.einsum('bsd,bed->bse', x, W) + b[:, None, :]
    q, k, v = jnp.split(qkv, 3, axis=-1)
    def rs(t):
        return t.reshape(B, S, H, DH).transpose(0, 2, 1, 3)
    q, k, v = rs(q), rs(k), rs(v)
    scores = jnp.einsum('bhqd,bhkd->bhqk', q, k) / np.sqrt(DH) + mask[None, None, :, :]
    attn = jax.nn.softmax(scores, axis=-1)
    o = jnp.einsum('bhqk,bhkd->bhqd', attn, v).transpose(0, 2, 1, 3).reshape(B, S, D)
    return jnp.einsum('bsd,bed->bse', o, Wo) + bo[:, None, :]


def reference(x, causal_mask, gate_w, in_proj_w, in_proj_b, out_w, out_b):
    # gate (Linear, no bias): logits = x @ gate_w.T
    gate_logits = jnp.einsum('bsd,ed->bse', x, gate_w)
    pooled = gate_logits.mean(axis=1)                      # [B, E]
    scores, indices = jax.lax.top_k(pooled, K)             # [B, K]
    probs = jax.nn.softmax(scores, axis=-1)                # [B, K]
    y = jnp.zeros_like(x)
    for slot in range(K):
        idx = indices[:, slot]                             # [B] expert id per batch element
        slot_out = _expert_attn(x, causal_mask,
                                in_proj_w[idx], in_proj_b[idx],
                                out_w[idx], out_b[idx])
        y = y + slot_out * probs[:, slot, None, None]
    # load-balance loss: buffers start at zero, one EMA update as in forward
    mask_for_ema = jax.nn.one_hot(indices.reshape(-1), E, dtype=jnp.float32).sum(0)
    ema = mask_for_ema / B * (1.0 - DECAY)
    p = ema / (ema.sum() + 1e-9)
    aux_lb_loss = (p * p).sum() * E
    return y, aux_lb_loss

if __name__ == "__main__":
    import jax
    _d = setup_inputs()
    print(jax.jit(kernel)(*tuple(_d.values())))

</pallas_src>

<mosaic_0001>
#map = affine_map<(d0, d1) -> (0)>
module attributes {stable_mosaic.version = 14 : i64} {
  func.func @_router_sc_body(%arg0: i32, %arg1: i32, %arg2: memref<128xf32, #tpu.memory_space<hbm>>, %arg3: memref<16xi32, #tpu.memory_space<hbm>>, %arg4: memref<16xf32, #tpu.memory_space<hbm>>, %arg5: memref<16xf32, #tpu.memory_space<hbm>>, %arg6: memref<128xf32, #tpu.memory_space<vmem>>, %arg7: memref<16xi32, #tpu.memory_space<vmem>>, %arg8: memref<16xf32, #tpu.memory_space<vmem>>, %arg9: memref<16xf32, #tpu.memory_space<vmem>>, %arg10: memref<16xf32, #tpu.memory_space<vmem>>, %arg11: memref<16xi32, #tpu.memory_space<vmem>>) attributes {dimension_semantics = [#tpu.dimension_semantics<core_parallel>, #tpu.dimension_semantics<subcore_parallel>], iteration_bounds = array<i64: 2, 16>, scalar_prefetch = 0 : i64, scratch_operands = 6 : i64, tpu.core_type = #tpu.core_type<sc_vector_subcore>, window_params = [{transform_indices = #map}, {transform_indices = #map}, {transform_indices = #map}, {transform_indices = #map}]} {
    %mul3A = arith.constant 2 : i32
    %mul3A_0 = arith.muli %arg1, %mul3A : i32
    %add3A = arith.addi %mul3A_0, %arg0 : i32
    %eq3A = arith.constant 0 : i32
    %eq3A_1 = arith.cmpi eq, %add3A, %eq3A : i32
    %convert_element_type3A = arith.extui %eq3A_1 : i1 to i32
    %cond3A = arith.constant 0 : i32
    %cond3A_2 = arith.cmpi ne, %convert_element_type3A, %cond3A : i32
    scf.if %cond3A_2 {
      "tpu.region"() ({
        %run_scoped3A = tpu.sem_alloc : memref<!tpu.dma_semaphore, #tpu.memory_space<semaphore_mem>>
        tpu.enqueue_dma source(%arg2 : memref<128xf32, #tpu.memory_space<hbm>>) target(%arg6 : memref<128xf32, #tpu.memory_space<vmem>>) target_semaphore(%run_scoped3A : memref<!tpu.dma_semaphore, #tpu.memory_space<semaphore_mem>>)
        tpu.wait_dma2 semaphore(%run_scoped3A : memref<!tpu.dma_semaphore, #tpu.memory_space<semaphore_mem>>) src(%arg2 : memref<128xf32, #tpu.memory_space<hbm>>) dst(%arg6 : memref<128xf32, #tpu.memory_space<vmem>>)
        tpu.yield
      }) : () -> ()
      %iota3A = tpu.iota {dimensions = array<i32: 0>} : vector<16xi32>
      %get3A = arith.constant 0 : index
      %get3A_3 = tpu.vector_load %arg6[%get3A] {strides = array<i32>} : memref<128xf32, #tpu.memory_space<vmem>>, vector<16xf32>,
      %get3A_4 = arith.constant 16 : index
      %get3A_5 = tpu.vector_load %arg6[%get3A_4] {strides = array<i32>} : memref<128xf32, #tpu.memory_space<vmem>>, vector<16xf32>,
      %get3A_6 = arith.constant 32 : index
      %get3A_7 = tpu.vector_load %arg6[%get3A_6] {strides = array<i32>} : memref<128xf32, #tpu.memory_space<vmem>>, vector<16xf32>,
      %get3A_8 = arith.constant 48 : index
      %get3A_9 = tpu.vector_load %arg6[%get3A_8] {strides = array<i32>} : memref<128xf32, #tpu.memory_space<vmem>>, vector<16xf32>,
      %max3A = arith.maximumf %get3A_3, %get3A_5 : vector<16xf32>
      %max3A_10 = arith.maximumf %max3A, %get3A_7 : vector<16xf32>
      %max3A_11 = arith.maximumf %max3A_10, %get3A_9 : vector<16xf32>
      %swap3A = arith.constant 0 : index
      %swap3A_12 = tpu.vector_load %arg10[%swap3A] {strides = array<i32>} : memref<16xf32, #tpu.memory_space<vmem>>, vector<16xf32>,
      tpu.vector_store %arg10[%swap3A], %max3A_11 {strides = array<i32>} : memref<16xf32, #tpu.memory_space<vmem>>, vector<16xf32>,
      %xor3A = arith.constant 1 : i32
      %xor3A_13 = vector.broadcast %xor3A : i32 to vector<16xi32>
      %xor3A_14 = arith.xori %iota3A, %xor3A_13 : vector<16xi32>
      %gather3A = tpu.vector_load_idx %arg10[%xor3A_14] : memref<16xf32, #tpu.memory_space<vmem>>[vector<16xi32>], vector<16xf32>,
      %max3A_15 = arith.maximumf %max3A_11, %gather3A : vector<16xf32>
      %swap3A_16 = arith.constant 0 : index
      %swap3A_17 = tpu.vector_load %arg10[%swap3A_16] {strides = array<i32>} : memref<16xf32, #tpu.memory_space<vmem>>, vector<16xf32>,
      tpu.vector_store %arg10[%swap3A_16], %max3A_15 {strides = array<i32>} : memref<16xf32, #tpu.memory_space<vmem>>, vector<16xf32>,
      %xor3A_18 = arith.constant 2 : i32
      %xor3A_19 = vector.broadcast %xor3A_18 : i32 to vector<16xi32>
      %xor3A_20 = arith.xori %iota3A, %xor3A_19 : vector<16xi32>
      %gather3A_21 = tpu.vector_load_idx %arg10[%xor3A_20] : memref<16xf32, #tpu.memory_space<vmem>>[vector<16xi32>], vector<16xf32>,
      %max3A_22 = arith.maximumf %max3A_15, %gather3A_21 : vector<16xf32>
      %swap3A_23 = arith.constant 0 : index
      %swap3A_24 = tpu.vector_load %arg10[%swap3A_23] {strides = array<i32>} : memref<16xf32, #tpu.memory_space<vmem>>, vector<16xf32>,
      tpu.vector_store %arg10[%swap3A_23], %max3A_22 {strides = array<i32>} : memref<16xf32, #tpu.memory_space<vmem>>, vector<16xf32>,
      %xor3A_25 = arith.constant 4 : i32
      %xor3A_26 = vector.broadcast %xor3A_25 : i32 to vector<16xi32>
      %xor3A_27 = arith.xori %iota3A, %xor3A_26 : vector<16xi32>
      %gather3A_28 = tpu.vector_load_idx %arg10[%xor3A_27] : memref<16xf32, #tpu.memory_space<vmem>>[vector<16xi32>], vector<16xf32>,
      %max3A_29 = arith.maximumf %max3A_22, %gather3A_28 : vector<16xf32>
      %swap3A_30 = arith.constant 0 : index
      %swap3A_31 = tpu.vector_load %arg10[%swap3A_30] {strides = array<i32>} : memref<16xf32, #tpu.memory_space<vmem>>, vector<16xf32>,
      tpu.vector_store %arg10[%swap3A_30], %max3A_29 {strides = array<i32>} : memref<16xf32, #tpu.memory_space<vmem>>, vector<16xf32>,
      %xor3A_32 = arith.constant 8 : i32
      %xor3A_33 = vector.broadcast %xor3A_32 : i32 to vector<16xi32>
      %xor3A_34 = arith.xori %iota3A, %xor3A_33 : vector<16xi32>
      %gather3A_35 = tpu.vector_load_idx %arg10[%xor3A_34] : memref<16xf32, #tpu.memory_space<vmem>>[vector<16xi32>], vector<16xf32>,
      %max3A_36 = arith.maximumf %max3A_29, %gather3A_35 : vector<16xf32>
      %eq3A_37 = arith.cmpf oeq, %get3A_3, %max3A_36 : vector<16xf32>
      %jit3A = arith.constant 64 : i32
      %broadcast_in_dim3A = vector.broadcast %jit3A : i32 to vector<16xi32>
      %select_n3A = arith.select %eq3A_37, %iota3A, %broadcast_in_dim3A : vector<16xi1>, vector<16xi32>
      %eq3A_38 = arith.cmpf oeq, %get3A_5, %max3A_36 : vector<16xf32>
      %add3A_39 = arith.constant 16 : i32
      %add3A_40 = vector.broadcast %add3A_39 : i32 to vector<16xi32>
      %add3A_41 = arith.addi %iota3A, %add3A_40 : vector<16xi32>
      %jit3A_42 = arith.constant 64 : i32
      %broadcast_in_dim3A_43 = vector.broadcast %jit3A_42 : i32 to vector<16xi32>
      %select_n3A_44 = arith.select %eq3A_38, %add3A_41, %broadcast_in_dim3A_43 : vector<16xi1>, vector<16xi32>
      %min3A = arith.minsi %select_n3A, %select_n3A_44 : vector<16xi32>
      %eq3A_45 = arith.cmpf oeq, %get3A_7, %max3A_36 : vector<16xf32>
      %add3A_46 = arith.constant 32 : i32
      %add3A_47 = vector.broadcast %add3A_46 : i32 to vector<16xi32>
      %add3A_48 = arith.addi %iota3A, %add3A_47 : vector<16xi32>
      %jit3A_49 = arith.constant 64 : i32
      %broadcast_in_dim3A_50 = vector.broadcast %jit3A_49 : i32 to vector<16xi32>
      %select_n3A_51 = arith.select %eq3A_45, %add3A_48, %broadcast_in_dim3A_50 : vector<16xi1>, vector<16xi32>
      %min3A_52 = arith.minsi %min3A, %select_n3A_51 : vector<16xi32>
      %eq3A_53 = arith.cmpf oeq, %get3A_9, %max3A_36 : vector<16xf32>
      %add3A_54 = arith.constant 48 : i32
      %add3A_55 = vector.broadcast %add3A_54 : i32 to vector<16xi32>
      %add3A_56 = arith.addi %iota3A, %add3A_55 : vector<16xi32>
      %jit3A_57 = arith.constant 64 : i32
      %broadcast_in_dim3A_58 = vector.broadcast %jit3A_57 : i32 to vector<16xi32>
      %select_n3A_59 = arith.select %eq3A_53, %add3A_56, %broadcast_in_dim3A_58 : vector<16xi1>, vector<16xi32>
      %min3A_60 = arith.minsi %min3A_52, %select_n3A_59 : vector<16xi32>
      %swap3A_61 = arith.constant 0 : index
      %swap3A_62 = tpu.vector_load %arg11[%swap3A_61] {strides = array<i32>} : memref<16xi32, #tpu.memory_space<vmem>>, vector<16xi32>,
      tpu.vector_store %arg11[%swap3A_61], %min3A_60 {strides = array<i32>} : memref<16xi32, #tpu.memory_space<vmem>>, vector<16xi32>,
      %xor3A_63 = arith.constant 1 : i32
      %xor3A_64 = vector.broadcast %xor3A_63 : i32 to vector<16xi32>
      %xor3A_65 = arith.xori %iota3A, %xor3A_64 : vector<16xi32>
      %gather3A_66 = tpu.vector_load_idx %arg11[%xor3A_65] : memref<16xi32, #tpu.memory_space<vmem>>[vector<16xi32>], vector<16xi32>,
      %min3A_67 = arith.minsi %min3A_60, %gather3A_66 : vector<16xi32>
      %swap3A_68 = arith.constant 0 : index
      %swap3A_69 = tpu.vector_load %arg11[%swap3A_68] {strides = array<i32>} : memref<16xi32, #tpu.memory_space<vmem>>, vector<16xi32>,
      tpu.vector_store %arg11[%swap3A_68], %min3A_67 {strides = array<i32>} : memref<16xi32, #tpu.memory_space<vmem>>, vector<16xi32>,
      %xor3A_70 = arith.constant 2 : i32
      %xor3A_71 = vector.broadcast %xor3A_70 : i32 to vector<16xi32>
      %xor3A_72 = arith.xori %iota3A, %xor3A_71 : vector<16xi32>
      %gather3A_73 = tpu.vector_load_idx %arg11[%xor3A_72] : memref<16xi32, #tpu.memory_space<vmem>>[vector<16xi32>], vector<16xi32>,
      %min3A_74 = arith.minsi %min3A_67, %gather3A_73 : vector<16xi32>
      %swap3A_75 = arith.constant 0 : index
      %swap3A_76 = tpu.vector_load %arg11[%swap3A_75] {strides = array<i32>} : memref<16xi32, #tpu.memory_space<vmem>>, vector<16xi32>,
      tpu.vector_store %arg11[%swap3A_75], %min3A_74 {strides = array<i32>} : memref<16xi32, #tpu.memory_space<vmem>>, vector<16xi32>,
      %xor3A_77 = arith.constant 4 : i32
      %xor3A_78 = vector.broadcast %xor3A_77 : i32 to vector<16xi32>
      %xor3A_79 = arith.xori %iota3A, %xor3A_78 : vector<16xi32>
      %gather3A_80 = tpu.vector_load_idx %arg11[%xor3A_79] : memref<16xi32, #tpu.memory_space<vmem>>[vector<16xi32>], vector<16xi32>,
      %min3A_81 = arith.minsi %min3A_74, %gather3A_80 : vector<16xi32>
      %swap3A_82 = arith.constant 0 : index
      %swap3A_83 = tpu.vector_load %arg11[%swap3A_82] {strides = array<i32>} : memref<16xi32, #tpu.memory_space<vmem>>, vector<16xi32>,
      tpu.vector_store %arg11[%swap3A_82], %min3A_81 {strides = array<i32>} : memref<16xi32, #tpu.memory_space<vmem>>, vector<16xi32>,
      %xor3A_84 = arith.constant 8 : i32
      %xor3A_85 = vector.broadcast %xor3A_84 : i32 to vector<16xi32>
      %xor3A_86 = arith.xori %iota3A, %xor3A_85 : vector<16xi32>
      %gather3A_87 = tpu.vector_load_idx %arg11[%xor3A_86] : memref<16xi32, #tpu.memory_space<vmem>>[vector<16xi32>], vector<16xi32>,
      %min3A_88 = arith.minsi %min3A_81, %gather3A_87 : vector<16xi32>
      %add3A_89 = arith.constant 0 : i32
      %add3A_90 = vector.broadcast %add3A_89 : i32 to vector<16xi32>
      %add3A_91 = arith.addi %iota3A, %add3A_90 : vector<16xi32>
      %eq3A_92 = arith.cmpi eq, %add3A_91, %min3A_88 : vector<16xi32>
      %jit3A_93 = arith.constant 0xFF800000 : f32
      %broadcast_in_dim3A_94 = vector.broadcast %jit3A_93 : f32 to vector<16xf32>
      %select_n3A_95 = arith.select %eq3A_92, %broadcast_in_dim3A_94, %get3A_3 : vector<16xi1>, vector<16xf32>
      %add3A_96 = arith.constant 16 : i32
      %add3A_97 = vector.broadcast %add3A_96 : i32 to vector<16xi32>
      %add3A_98 = arith.addi %iota3A, %add3A_97 : vector<16xi32>
      %eq3A_99 = arith.cmpi eq, %add3A_98, %min3A_88 : vector<16xi32>
      %jit3A_100 = arith.constant 0xFF800000 : f32
      %broadcast_in_dim3A_101 = vector.broadcast %jit3A_100 : f32 to vector<16xf32>
      %select_n3A_102 = arith.select %eq3A_99, %broadcast_in_dim3A_101, %get3A_5 : vector<16xi1>, vector<16xf32>
      %add3A_103 = arith.constant 32 : i32
      %add3A_104 = vector.broadcast %add3A_103 : i32 to vector<16xi32>
      %add3A_105 = arith.addi %iota3A, %add3A_104 : vector<16xi32>
      %eq3A_106 = arith.cmpi eq, %add3A_105, %min3A_88 : vector<16xi32>
      %jit3A_107 = arith.constant 0xFF800000 : f32
      %broadcast_in_dim3A_108 = vector.broadcast %jit3A_107 : f32 to vector<16xf32>
      %select_n3A_109 = arith.select %eq3A_106, %broadcast_in_dim3A_108, %get3A_7 : vector<16xi1>, vector<16xf32>
      %add3A_110 = arith.constant 48 : i32
      %add3A_111 = vector.broadcast %add3A_110 : i32 to vector<16xi32>
      %add3A_112 = arith.addi %iota3A, %add3A_111 : vector<16xi32>
      %eq3A_113 = arith.cmpi eq, %add3A_112, %min3A_88 : vector<16xi32>
      %jit3A_114 = arith.constant 0xFF800000 : f32
      %broadcast_in_dim3A_115 = vector.broadcast %jit3A_114 : f32 to vector<16xf32>
      %select_n3A_116 = arith.select %eq3A_113, %broadcast_in_dim3A_115, %get3A_9 : vector<16xi1>, vector<16xf32>
      %max3A_117 = arith.maximumf %select_n3A_95, %select_n3A_102 : vector<16xf32>
      %max3A_118 = arith.maximumf %max3A_117, %select_n3A_109 : vector<16xf32>
      %max3A_119 = arith.maximumf %max3A_118, %select_n3A_116 : vector<16xf32>
      %swap3A_120 = arith.constant 0 : index
      %swap3A_121 = tpu.vector_load %arg10[%swap3A_120] {strides = array<i32>} : memref<16xf32, #tpu.memory_space<vmem>>, vector<16xf32>,
      tpu.vector_store %arg10[%swap3A_120], %max3A_119 {strides = array<i32>} : memref<16xf32, #tpu.memory_space<vmem>>, vector<16xf32>,
      %xor3A_122 = arith.constant 1 : i32
      %xor3A_123 = vector.broadcast %xor3A_122 : i32 to vector<16xi32>
      %xor3A_124 = arith.xori %iota3A, %xor3A_123 : vector<16xi32>
      %gather3A_125 = tpu.vector_load_idx %arg10[%xor3A_124] : memref<16xf32, #tpu.memory_space<vmem>>[vector<16xi32>], vector<16xf32>,
      %max3A_126 = arith.maximumf %max3A_119, %gather3A_125 : vector<16xf32>
      %swap3A_127 = arith.constant 0 : index
      %swap3A_128 = tpu.vector_load %arg10[%swap3A_127] {strides = array<i32>} : memref<16xf32, #tpu.memory_space<vmem>>, vector<16xf32>,
      tpu.vector_store %arg10[%swap3A_127], %max3A_126 {strides = array<i32>} : memref<16xf32, #tpu.memory_space<vmem>>, vector<16xf32>,
      %xor3A_129 = arith.constant 2 : i32
      %xor3A_130 = vector.broadcast %xor3A_129 : i32 to vector<16xi32>
      %xor3A_131 = arith.xori %iota3A, %xor3A_130 : vector<16xi32>
      %gather3A_132 = tpu.vector_load_idx %arg10[%xor3A_131] : memref<16xf32, #tpu.memory_space<vmem>>[vector<16xi32>], vector<16xf32>,
      %max3A_133 = arith.maximumf %max3A_126, %gather3A_132 : vector<16xf32>
      %swap3A_134 = arith.constant 0 : index
      %swap3A_135 = tpu.vector_load %arg10[%swap3A_134] {strides = array<i32>} : memref<16xf32, #tpu.memory_space<vmem>>, vector<16xf32>,
      tpu.vector_store %arg10[%swap3A_134], %max3A_133 {strides = array<i32>} : memref<16xf32, #tpu.memory_space<vmem>>, vector<16xf32>,
      %xor3A_136 = arith.constant 4 : i32
      %xor3A_137 = vector.broadcast %xor3A_136 : i32 to vector<16xi32>
      %xor3A_138 = arith.xori %iota3A, %xor3A_137 : vector<16xi32>
      %gather3A_139 = tpu.vector_load_idx %arg10[%xor3A_138] : memref<16xf32, #tpu.memory_space<vmem>>[vector<16xi32>], vector<16xf32>,
      %max3A_140 = arith.maximumf %max3A_133, %gather3A_139 : vector<16xf32>
      %swap3A_141 = arith.constant 0 : index
      %swap3A_142 = tpu.vector_load %arg10[%swap3A_141] {strides = array<i32>} : memref<16xf32, #tpu.memory_space<vmem>>, vector<16xf32>,
      tpu.vector_store %arg10[%swap3A_141], %max3A_140 {strides = array<i32>} : memref<16xf32, #tpu.memory_space<vmem>>, vector<16xf32>,
      %xor3A_143 = arith.constant 8 : i32
      %xor3A_144 = vector.broadcast %xor3A_143 : i32 to vector<16xi32>
      %xor3A_145 = arith.xori %iota3A, %xor3A_144 : vector<16xi32>
      %gather3A_146 = tpu.vector_load_idx %arg10[%xor3A_145] : memref<16xf32, #tpu.memory_space<vmem>>[vector<16xi32>], vector<16xf32>,
      %max3A_147 = arith.maximumf %max3A_140, %gather3A_146 : vector<16xf32>
      %eq3A_148 = arith.cmpf oeq, %select_n3A_95, %max3A_147 : vector<16xf32>
      %jit3A_149 = arith.constant 64 : i32
      %broadcast_in_dim3A_150 = vector.broadcast %jit3A_149 : i32 to vector<16xi32>
      %select_n3A_151 = arith.select %eq3A_148, %iota3A, %broadcast_in_dim3A_150 : vector<16xi1>, vector<16xi32>
      %eq3A_152 = arith.cmpf oeq, %select_n3A_102, %max3A_147 : vector<16xf32>
      %add3A_153 = arith.constant 16 : i32
      %add3A_154 = vector.broadcast %add3A_153 : i32 to vector<16xi32>
      %add3A_155 = arith.addi %iota3A, %add3A_154 : vector<16xi32>
      %jit3A_156 = arith.constant 64 : i32
      %broadcast_in_dim3A_157 = vector.broadcast %jit3A_156 : i32 to vector<16xi32>
      %select_n3A_158 = arith.select %eq3A_152, %add3A_155, %broadcast_in_dim3A_157 : vector<16xi1>, vector<16xi32>
      %min3A_159 = arith.minsi %select_n3A_151, %select_n3A_158 : vector<16xi32>
      %eq3A_160 = arith.cmpf oeq, %select_n3A_109, %max3A_147 : vector<16xf32>
      %add3A_161 = arith.constant 32 : i32
      %add3A_162 = vector.broadcast %add3A_161 : i32 to vector<16xi32>
      %add3A_163 = arith.addi %iota3A, %add3A_162 : vector<16xi32>
      %jit3A_164 = arith.constant 64 : i32
      %broadcast_in_dim3A_165 = vector.broadcast %jit3A_164 : i32 to vector<16xi32>
      %select_n3A_166 = arith.select %eq3A_160, %add3A_163, %broadcast_in_dim3A_165 : vector<16xi1>, vector<16xi32>
      %min3A_167 = arith.minsi %min3A_159, %select_n3A_166 : vector<16xi32>
      %eq3A_168 = arith.cmpf oeq, %select_n3A_116, %max3A_147 : vector<16xf32>
      %add3A_169 = arith.constant 48 : i32
      %add3A_170 = vector.broadcast %add3A_169 : i32 to vector<16xi32>
      %add3A_171 = arith.addi %iota3A, %add3A_170 : vector<16xi32>
      %jit3A_172 = arith.constant 64 : i32
      %broadcast_in_dim3A_173 = vector.broadcast %jit3A_172 : i32 to vector<16xi32>
      %select_n3A_174 = arith.select %eq3A_168, %add3A_171, %broadcast_in_dim3A_173 : vector<16xi1>, vector<16xi32>
      %min3A_175 = arith.minsi %min3A_167, %select_n3A_174 : vector<16xi32>
      %swap3A_176 = arith.constant 0 : index
      %swap3A_177 = tpu.vector_load %arg11[%swap3A_176] {strides = array<i32>} : memref<16xi32, #tpu.memory_space<vmem>>, vector<16xi32>,
      tpu.vector_store %arg11[%swap3A_176], %min3A_175 {strides = array<i32>} : memref<16xi32, #tpu.memory_space<vmem>>, vector<16xi32>,
      %xor3A_178 = arith.constant 1 : i32
      %xor3A_179 = vector.broadcast %xor3A_178 : i32 to vector<16xi32>
      %xor3A_180 = arith.xori %iota3A, %xor3A_179 : vector<16xi32>
      %gather3A_181 = tpu.vector_load_idx %arg11[%xor3A_180] : memref<16xi32, #tpu.memory_space<vmem>>[vector<16xi32>], vector<16xi32>,
      %min3A_182 = arith.minsi %min3A_175, %gather3A_181 : vector<16xi32>
      %swap3A_183 = arith.constant 0 : index
      %swap3A_184 = tpu.vector_load %arg11[%swap3A_183] {strides = array<i32>} : memref<16xi32, #tpu.memory_space<vmem>>, vector<16xi32>,
      tpu.vector_store %arg11[%swap3A_183], %min3A_182 {strides = array<i32>} : memref<16xi32, #tpu.memory_space<vmem>>, vector<16xi32>,
      %xor3A_185 = arith.constant 2 : i32
      %xor3A_186 = vector.broadcast %xor3A_185 : i32 to vector<16xi32>
      %xor3A_187 = arith.xori %iota3A, %xor3A_186 : vector<16xi32>
      %gather3A_188 = tpu.vector_load_idx %arg11[%xor3A_187] : memref<16xi32, #tpu.memory_space<vmem>>[vector<16xi32>], vector<16xi32>,
      %min3A_189 = arith.minsi %min3A_182, %gather3A_188 : vector<16xi32>
      %swap3A_190 = arith.constant 0 : index
      %swap3A_191 = tpu.vector_load %arg11[%swap3A_190] {strides = array<i32>} : memref<16xi32, #tpu.memory_space<vmem>>, vector<16xi32>,
      tpu.vector_store %arg11[%swap3A_190], %min3A_189 {strides = array<i32>} : memref<16xi32, #tpu.memory_space<vmem>>, vector<16xi32>,
      %xor3A_192 = arith.constant 4 : i32
      %xor3A_193 = vector.broadcast %xor3A_192 : i32 to vector<16xi32>
      %xor3A_194 = arith.xori %iota3A, %xor3A_193 : vector<16xi32>
      %gather3A_195 = tpu.vector_load_idx %arg11[%xor3A_194] : memref<16xi32, #tpu.memory_space<vmem>>[vector<16xi32>], vector<16xi32>,
      %min3A_196 = arith.minsi %min3A_189, %gather3A_195 : vector<16xi32>
      %swap3A_197 = arith.constant 0 : index
      %swap3A_198 = tpu.vector_load %arg11[%swap3A_197] {strides = array<i32>} : memref<16xi32, #tpu.memory_space<vmem>>, vector<16xi32>,
      tpu.vector_store %arg11[%swap3A_197], %min3A_196 {strides = array<i32>} : memref<16xi32, #tpu.memory_space<vmem>>, vector<16xi32>,
      %xor3A_199 = arith.constant 8 : i32
      %xor3A_200 = vector.broadcast %xor3A_199 : i32 to vector<16xi32>
      %xor3A_201 = arith.xori %iota3A, %xor3A_200 : vector<16xi32>
      %gather3A_202 = tpu.vector_load_idx %arg11[%xor3A_201] : memref<16xi32, #tpu.memory_space<vmem>>[vector<16xi32>], vector<16xi32>,
      %min3A_203 = arith.minsi %min3A_196, %gather3A_202 : vector<16xi32>
      %sub3A = arith.subf %max3A_147, %max3A_36 : vector<16xf32>
      %get3A_204 = arith.constant 64 : index
      %get3A_205 = tpu.vector_load %arg6[%get3A_204] {strides = array<i32>} : memref<128xf32, #tpu.memory_space<vmem>>, vector<16xf32>,
      %get3A_206 = arith.constant 80 : index
      %get3A_207 = tpu.vector_load %arg6[%get3A_206] {strides = array<i32>} : memref<128xf32, #tpu.memory_space<vmem>>, vector<16xf32>,
      %get3A_208 = arith.constant 96 : index
      %get3A_209 = tpu.vector_load %arg6[%get3A_208] {strides = array<i32>} : memref<128xf32, #tpu.memory_space<vmem>>, vector<16xf32>,
      %get3A_210 = arith.constant 112 : index
      %get3A_211 = tpu.vector_load %arg6[%get3A_210] {strides = array<i32>} : memref<128xf32, #tpu.memory_space<vmem>>, vector<16xf32>,
      %max3A_212 = arith.maximumf %get3A_205, %get3A_207 : vector<16xf32>
      %max3A_213 = arith.maximumf %max3A_212, %get3A_209 : vector<16xf32>
      %max3A_214 = arith.maximumf %max3A_213, %get3A_211 : vector<16xf32>
      %swap3A_215 = arith.constant 0 : index
      %swap3A_216 = tpu.vector_load %arg10[%swap3A_215] {strides = array<i32>} : memref<16xf32, #tpu.memory_space<vmem>>, vector<16xf32>,
      tpu.vector_store %arg10[%swap3A_215], %max3A_214 {strides = array<i32>} : memref<16xf32, #tpu.memory_space<vmem>>, vector<16xf32>,
      %xor3A_217 = arith.constant 1 : i32
      %xor3A_218 = vector.broadcast %xor3A_217 : i32 to vector<16xi32>
      %xor3A_219 = arith.xori %iota3A, %xor3A_218 : vector<16xi32>
      %gather3A_220 = tpu.vector_load_idx %arg10[%xor3A_219] : memref<16xf32, #tpu.memory_space<vmem>>[vector<16xi32>], vector<16xf32>,
      %max3A_221 = arith.maximumf %max3A_214, %gather3A_220 : vector<16xf32>
      %swap3A_222 = arith.constant 0 : index
      %swap3A_223 = tpu.vector_load %arg10[%swap3A_222] {strides = array<i32>} : memref<16xf32, #tpu.memory_space<vmem>>, vector<16xf32>,
      tpu.vector_store %arg10[%swap3A_222], %max3A_221 {strides = array<i32>} : memref<16xf32, #tpu.memory_space<vmem>>, vector<16xf32>,
      %xor3A_224 = arith.constant 2 : i32
      %xor3A_225 = vector.broadcast %xor3A_224 : i32 to vector<16xi32>
      %xor3A_226 = arith.xori %iota3A, %xor3A_225 : vector<16xi32>
      %gather3A_227 = tpu.vector_load_idx %arg10[%xor3A_226] : memref<16xf32, #tpu.memory_space<vmem>>[vector<16xi32>], vector<16xf32>,
      %max3A_228 = arith.maximumf %max3A_221, %gather3A_227 : vector<16xf32>
      %swap3A_229 = arith.constant 0 : index
      %swap3A_230 = tpu.vector_load %arg10[%swap3A_229] {strides = array<i32>} : memref<16xf32, #tpu.memory_space<vmem>>, vector<16xf32>,
      tpu.vector_store %arg10[%swap3A_229], %max3A_228 {strides = array<i32>} : memref<16xf32, #tpu.memory_space<vmem>>, vector<16xf32>,
      %xor3A_231 = arith.constant 4 : i32
      %xor3A_232 = vector.broadcast %xor3A_231 : i32 to vector<16xi32>
      %xor3A_233 = arith.xori %iota3A, %xor3A_232 : vector<16xi32>
      %gather3A_234 = tpu.vector_load_idx %arg10[%xor3A_233] : memref<16xf32, #tpu.memory_space<vmem>>[vector<16xi32>], vector<16xf32>,
      %max3A_235 = arith.maximumf %max3A_228, %gather3A_234 : vector<16xf32>
      %swap3A_236 = arith.constant 0 : index
      %swap3A_237 = tpu.vector_load %arg10[%swap3A_236] {strides = array<i32>} : memref<16xf32, #tpu.memory_space<vmem>>, vector<16xf32>,
      tpu.vector_store %arg10[%swap3A_236], %max3A_235 {strides = array<i32>} : memref<16xf32, #tpu.memory_space<vmem>>, vector<16xf32>,
      %xor3A_238 = arith.constant 8 : i32
      %xor3A_239 = vector.broadcast %xor3A_238 : i32 to vector<16xi32>
      %xor3A_240 = arith.xori %iota3A, %xor3A_239 : vector<16xi32>
      %gather3A_241 = tpu.vector_load_idx %arg10[%xor3A_240] : memref<16xf32, #tpu.memory_space<vmem>>[vector<16xi32>], vector<16xf32>,
      %max3A_242 = arith.maximumf %max3A_235, %gather3A_241 : vector<16xf32>
      %eq3A_243 = arith.cmpf oeq, %get3A_205, %max3A_242 : vector<16xf32>
      %jit3A_244 = arith.constant 64 : i32
      %broadcast_in_dim3A_245 = vector.broadcast %jit3A_244 : i32 to vector<16xi32>
      %select_n3A_246 = arith.select %eq3A_243, %iota3A, %broadcast_in_dim3A_245 : vector<16xi1>, vector<16xi32>
      %eq3A_247 = arith.cmpf oeq, %get3A_207, %max3A_242 : vector<16xf32>
      %add3A_248 = arith.constant 16 : i32
      %add3A_249 = vector.broadcast %add3A_248 : i32 to vector<16xi32>
      %add3A_250 = arith.addi %iota3A, %add3A_249 : vector<16xi32>
      %jit3A_251 = arith.constant 64 : i32
      %broadcast_in_dim3A_252 = vector.broadcast %jit3A_251 : i32 to vector<16xi32>
      %select_n3A_253 = arith.select %eq3A_247, %add3A_250, %broadcast_in_dim3A_252 : vector<16xi1>, vector<16xi32>
      %min3A_254 = arith.minsi %select_n3A_246, %select_n3A_253 : vector<16xi32>
      %eq3A_255 = arith.cmpf oeq, %get3A_209, %max3A_242 : vector<16xf32>
      %add3A_256 = arith.constant 32 : i32
      %add3A_257 = vector.broadcast %add3A_256 : i32 to vector<16xi32>
      %add3A_258 = arith.addi %iota3A, %add3A_257 : vector<16xi32>
      %jit3A_259 = arith.constant 64 : i32
      %broadcast_in_dim3A_260 = vector.broadcast %jit3A_259 : i32 to vector<16xi32>
      %select_n3A_261 = arith.select %eq3A_255, %add3A_258, %broadcast_in_dim3A_260 : vector<16xi1>, vector<16xi32>
      %min3A_262 = arith.minsi %min3A_254, %select_n3A_261 : vector<16xi32>
      %eq3A_263 = arith.cmpf oeq, %get3A_211, %max3A_242 : vector<16xf32>
      %add3A_264 = arith.constant 48 : i32
      %add3A_265 = vector.broadcast %add3A_264 : i32 to vector<16xi32>
      %add3A_266 = arith.addi %iota3A, %add3A_265 : vector<16xi32>
      %jit3A_267 = arith.constant 64 : i32
      %broadcast_in_dim3A_268 = vector.broadcast %jit3A_267 : i32 to vector<16xi32>
      %select_n3A_269 = arith.select %eq3A_263, %add3A_266, %broadcast_in_dim3A_268 : vector<16xi1>, vector<16xi32>
      %min3A_270 = arith.minsi %min3A_262, %select_n3A_269 : vector<16xi32>
      %swap3A_271 = arith.constant 0 : index
      %swap3A_272 = tpu.vector_load %arg11[%swap3A_271] {strides = array<i32>} : memref<16xi32, #tpu.memory_space<vmem>>, vector<16xi32>,
      tpu.vector_store %arg11[%swap3A_271], %min3A_270 {strides = array<i32>} : memref<16xi32, #tpu.memory_space<vmem>>, vector<16xi32>,
      %xor3A_273 = arith.constant 1 : i32
      %xor3A_274 = vector.broadcast %xor3A_273 : i32 to vector<16xi32>
      %xor3A_275 = arith.xori %iota3A, %xor3A_274 : vector<16xi32>
      %gather3A_276 = tpu.vector_load_idx %arg11[%xor3A_275] : memref<16xi32, #tpu.memory_space<vmem>>[vector<16xi32>], vector<16xi32>,
      %min3A_277 = arith.minsi %min3A_270, %gather3A_276 : vector<16xi32>
      %swap3A_278 = arith.constant 0 : index
      %swap3A_279 = tpu.vector_load %arg11[%swap3A_278] {strides = array<i32>} : memref<16xi32, #tpu.memory_space<vmem>>, vector<16xi32>,
      tpu.vector_store %arg11[%swap3A_278], %min3A_277 {strides = array<i32>} : memref<16xi32, #tpu.memory_space<vmem>>, vector<16xi32>,
      %xor3A_280 = arith.constant 2 : i32
      %xor3A_281 = vector.broadcast %xor3A_280 : i32 to vector<16xi32>
      %xor3A_282 = arith.xori %iota3A, %xor3A_281 : vector<16xi32>
      %gather3A_283 = tpu.vector_load_idx %arg11[%xor3A_282] : memref<16xi32, #tpu.memory_space<vmem>>[vector<16xi32>], vector<16xi32>,
      %min3A_284 = arith.minsi %min3A_277, %gather3A_283 : vector<16xi32>
      %swap3A_285 = arith.constant 0 : index
      %swap3A_286 = tpu.vector_load %arg11[%swap3A_285] {strides = array<i32>} : memref<16xi32, #tpu.memory_space<vmem>>, vector<16xi32>,
      tpu.vector_store %arg11[%swap3A_285], %min3A_284 {strides = array<i32>} : memref<16xi32, #tpu.memory_space<vmem>>, vector<16xi32>,
      %xor3A_287 = arith.constant 4 : i32
      %xor3A_288 = vector.broadcast %xor3A_287 : i32 to vector<16xi32>
      %xor3A_289 = arith.xori %iota3A, %xor3A_288 : vector<16xi32>
      %gather3A_290 = tpu.vector_load_idx %arg11[%xor3A_289] : memref<16xi32, #tpu.memory_space<vmem>>[vector<16xi32>], vector<16xi32>,
      %min3A_291 = arith.minsi %min3A_284, %gather3A_290 : vector<16xi32>
      %swap3A_292 = arith.constant 0 : index
      %swap3A_293 = tpu.vector_load %arg11[%swap3A_292] {strides = array<i32>} : memref<16xi32, #tpu.memory_space<vmem>>, vector<16xi32>,
      tpu.vector_store %arg11[%swap3A_292], %min3A_291 {strides = array<i32>} : memref<16xi32, #tpu.memory_space<vmem>>, vector<16xi32>,
      %xor3A_294 = arith.constant 8 : i32
      %xor3A_295 = vector.broadcast %xor3A_294 : i32 to vector<16xi32>
      %xor3A_296 = arith.xori %iota3A, %xor3A_295 : vector<16xi32>
      %gather3A_297 = tpu.vector_load_idx %arg11[%xor3A_296] : memref<16xi32, #tpu.memory_space<vmem>>[vector<16xi32>], vector<16xi32>,
      %min3A_298 = arith.minsi %min3A_291, %gather3A_297 : vector<16xi32>
      %add3A_299 = arith.constant 0 : i32
      %add3A_300 = vector.broadcast %add3A_299 : i32 to vector<16xi32>
      %add3A_301 = arith.addi %iota3A, %add3A_300 : vector<16xi32>
      %eq3A_302 = arith.cmpi eq, %add3A_301, %min3A_298 : vector<16xi32>
      %jit3A_303 = arith.constant 0xFF800000 : f32
      %broadcast_in_dim3A_304 = vector.broadcast %jit3A_303 : f32 to vector<16xf32>
      %select_n3A_305 = arith.select %eq3A_302, %broadcast_in_dim3A_304, %get3A_205 : vector<16xi1>, vector<16xf32>
      %add3A_306 = arith.constant 16 : i32
      %add3A_307 = vector.broadcast %add3A_306 : i32 to vector<16xi32>
      %add3A_308 = arith.addi %iota3A, %add3A_307 : vector<16xi32>
      %eq3A_309 = arith.cmpi eq, %add3A_308, %min3A_298 : vector<16xi32>
      %jit3A_310 = arith.constant 0xFF800000 : f32
      %broadcast_in_dim3A_311 = vector.broadcast %jit3A_310 : f32 to vector<16xf32>
      %select_n3A_312 = arith.select %eq3A_309, %broadcast_in_dim3A_311, %get3A_207 : vector<16xi1>, vector<16xf32>
      %add3A_313 = arith.constant 32 : i32
      %add3A_314 = vector.broadcast %add3A_313 : i32 to vector<16xi32>
      %add3A_315 = arith.addi %iota3A, %add3A_314 : vector<16xi32>
      %eq3A_316 = arith.cmpi eq, %add3A_315, %min3A_298 : vector<16xi32>
      %jit3A_317 = arith.constant 0xFF800000 : f32
      %broadcast_in_dim3A_318 = vector.broadcast %jit3A_317 : f32 to vector<16xf32>
      %select_n3A_319 = arith.select %eq3A_316, %broadcast_in_dim3A_318, %get3A_209 : vector<16xi1>, vector<16xf32>
      %add3A_320 = arith.constant 48 : i32
      %add3A_321 = vector.broadcast %add3A_320 : i32 to vector<16xi32>
      %add3A_322 = arith.addi %iota3A, %add3A_321 : vector<16xi32>
      %eq3A_323 = arith.cmpi eq, %add3A_322, %min3A_298 : vector<16xi32>
      %jit3A_324 = arith.constant 0xFF800000 : f32
      %broadcast_in_dim3A_325 = vector.broadcast %jit3A_324 : f32 to vector<16xf32>
      %select_n3A_326 = arith.select %eq3A_323, %broadcast_in_dim3A_325, %get3A_211 : vector<16xi1>, vector<16xf32>
      %max3A_327 = arith.maximumf %select_n3A_305, %select_n3A_312 : vector<16xf32>
      %max3A_328 = arith.maximumf %max3A_327, %select_n3A_319 : vector<16xf32>
      %max3A_329 = arith.maximumf %max3A_328, %select_n3A_326 : vector<16xf32>
      %swap3A_330 = arith.constant 0 : index
      %swap3A_331 = tpu.vector_load %arg10[%swap3A_330] {strides = array<i32>} : memref<16xf32, #tpu.memory_space<vmem>>, vector<16xf32>,
      tpu.vector_store %arg10[%swap3A_330], %max3A_329 {strides = array<i32>} : memref<16xf32, #tpu.memory_space<vmem>>, vector<16xf32>,
      %xor3A_332 = arith.constant 1 : i32
      %xor3A_333 = vector.broadcast %xor3A_332 : i32 to vector<16xi32>
      %xor3A_334 = arith.xori %iota3A, %xor3A_333 : vector<16xi32>
      %gather3A_335 = tpu.vector_load_idx %arg10[%xor3A_334] : memref<16xf32, #tpu.memory_space<vmem>>[vector<16xi32>], vector<16xf32>,
      %max3A_336 = arith.maximumf %max3A_329, %gather3A_335 : vector<16xf32>
      %swap3A_337 = arith.constant 0 : index
      %swap3A_338 = tpu.vector_load %arg10[%swap3A_337] {strides = array<i32>} : memref<16xf32, #tpu.memory_space<vmem>>, vector<16xf32>,
      tpu.vector_store %arg10[%swap3A_337], %max3A_336 {strides = array<i32>} : memref<16xf32, #tpu.memory_space<vmem>>, vector<16xf32>,
      %xor3A_339 = arith.constant 2 : i32
      %xor3A_340 = vector.broadcast %xor3A_339 : i32 to vector<16xi32>
      %xor3A_341 = arith.xori %iota3A, %xor3A_340 : vector<16xi32>
      %gather3A_342 = tpu.vector_load_idx %arg10[%xor3A_341] : memref<16xf32, #tpu.memory_space<vmem>>[vector<16xi32>], vector<16xf32>,
      %max3A_343 = arith.maximumf %max3A_336, %gather3A_342 : vector<16xf32>
      %swap3A_344 = arith.constant 0 : index
      %swap3A_345 = tpu.vector_load %arg10[%swap3A_344] {strides = array<i32>} : memref<16xf32, #tpu.memory_space<vmem>>, vector<16xf32>,
      tpu.vector_store %arg10[%swap3A_344], %max3A_343 {strides = array<i32>} : memref<16xf32, #tpu.memory_space<vmem>>, vector<16xf32>,
      %xor3A_346 = arith.constant 4 : i32
      %xor3A_347 = vector.broadcast %xor3A_346 : i32 to vector<16xi32>
      %xor3A_348 = arith.xori %iota3A, %xor3A_347 : vector<16xi32>
      %gather3A_349 = tpu.vector_load_idx %arg10[%xor3A_348] : memref<16xf32, #tpu.memory_space<vmem>>[vector<16xi32>], vector<16xf32>,
      %max3A_350 = arith.maximumf %max3A_343, %gather3A_349 : vector<16xf32>
      %swap3A_351 = arith.constant 0 : index
      %swap3A_352 = tpu.vector_load %arg10[%swap3A_351] {strides = array<i32>} : memref<16xf32, #tpu.memory_space<vmem>>, vector<16xf32>,
      tpu.vector_store %arg10[%swap3A_351], %max3A_350 {strides = array<i32>} : memref<16xf32, #tpu.memory_space<vmem>>, vector<16xf32>,
      %xor3A_353 = arith.constant 8 : i32
      %xor3A_354 = vector.broadcast %xor3A_353 : i32 to vector<16xi32>
      %xor3A_355 = arith.xori %iota3A, %xor3A_354 : vector<16xi32>
      %gather3A_356 = tpu.vector_load_idx %arg10[%xor3A_355] : memref<16xf32, #tpu.memory_space<vmem>>[vector<16xi32>], vector<16xf32>,
      %max3A_357 = arith.maximumf %max3A_350, %gather3A_356 : vector<16xf32>
      %eq3A_358 = arith.cmpf oeq, %select_n3A_305, %max3A_357 : vector<16xf32>
      %jit3A_359 = arith.constant 64 : i32
      %broadcast_in_dim3A_360 = vector.broadcast %jit3A_359 : i32 to vector<16xi32>
      %select_n3A_361 = arith.select %eq3A_358, %iota3A, %broadcast_in_dim3A_360 : vector<16xi1>, vector<16xi32>
      %eq3A_362 = arith.cmpf oeq, %select_n3A_312, %max3A_357 : vector<16xf32>
      %add3A_363 = arith.constant 16 : i32
      %add3A_364 = vector.broadcast %add3A_363 : i32 to vector<16xi32>
      %add3A_365 = arith.addi %iota3A, %add3A_364 : vector<16xi32>
      %jit3A_366 = arith.constant 64 : i32
      %broadcast_in_dim3A_367 = vector.broadcast %jit3A_366 : i32 to vector<16xi32>
      %select_n3A_368 = arith.select %eq3A_362, %add3A_365, %broadcast_in_dim3A_367 : vector<16xi1>, vector<16xi32>
      %min3A_369 = arith.minsi %select_n3A_361, %select_n3A_368 : vector<16xi32>
      %eq3A_370 = arith.cmpf oeq, %select_n3A_319, %max3A_357 : vector<16xf32>
      %add3A_371 = arith.constant 32 : i32
      %add3A_372 = vector.broadcast %add3A_371 : i32 to vector<16xi32>
      %add3A_373 = arith.addi %iota3A, %add3A_372 : vector<16xi32>
      %jit3A_374 = arith.constant 64 : i32
      %broadcast_in_dim3A_375 = vector.broadcast %jit3A_374 : i32 to vector<16xi32>
      %select_n3A_376 = arith.select %eq3A_370, %add3A_373, %broadcast_in_dim3A_375 : vector<16xi1>, vector<16xi32>
      %min3A_377 = arith.minsi %min3A_369, %select_n3A_376 : vector<16xi32>
      %eq3A_378 = arith.cmpf oeq, %select_n3A_326, %max3A_357 : vector<16xf32>
      %add3A_379 = arith.constant 48 : i32
      %add3A_380 = vector.broadcast %add3A_379 : i32 to vector<16xi32>
      %add3A_381 = arith.addi %iota3A, %add3A_380 : vector<16xi32>
      %jit3A_382 = arith.constant 64 : i32
      %broadcast_in_dim3A_383 = vector.broadcast %jit3A_382 : i32 to vector<16xi32>
      %select_n3A_384 = arith.select %eq3A_378, %add3A_381, %broadcast_in_dim3A_383 : vector<16xi1>, vector<16xi32>
      %min3A_385 = arith.minsi %min3A_377, %select_n3A_384 : vector<16xi32>
      %swap3A_386 = arith.constant 0 : index
      %swap3A_387 = tpu.vector_load %arg11[%swap3A_386] {strides = array<i32>} : memref<16xi32, #tpu.memory_space<vmem>>, vector<16xi32>,
      tpu.vector_store %arg11[%swap3A_386], %min3A_385 {strides = array<i32>} : memref<16xi32, #tpu.memory_space<vmem>>, vector<16xi32>,
      %xor3A_388 = arith.constant 1 : i32
      %xor3A_389 = vector.broadcast %xor3A_388 : i32 to vector<16xi32>
      %xor3A_390 = arith.xori %iota3A, %xor3A_389 : vector<16xi32>
      %gather3A_391 = tpu.vector_load_idx %arg11[%xor3A_390] : memref<16xi32, #tpu.memory_space<vmem>>[vector<16xi32>], vector<16xi32>,
      %min3A_392 = arith.minsi %min3A_385, %gather3A_391 : vector<16xi32>
      %swap3A_393 = arith.constant 0 : index
      %swap3A_394 = tpu.vector_load %arg11[%swap3A_393] {strides = array<i32>} : memref<16xi32, #tpu.memory_space<vmem>>, vector<16xi32>,
      tpu.vector_store %arg11[%swap3A_393], %min3A_392 {strides = array<i32>} : memref<16xi32, #tpu.memory_space<vmem>>, vector<16xi32>,
      %xor3A_395 = arith.constant 2 : i32
      %xor3A_396 = vector.broadcast %xor3A_395 : i32 to vector<16xi32>
      %xor3A_397 = arith.xori %iota3A, %xor3A_396 : vector<16xi32>
      %gather3A_398 = tpu.vector_load_idx %arg11[%xor3A_397] : memref<16xi32, #tpu.memory_space<vmem>>[vector<16xi32>], vector<16xi32>,
      %min3A_399 = arith.minsi %min3A_392, %gather3A_398 : vector<16xi32>
      %swap3A_400 = arith.constant 0 : index
      %swap3A_401 = tpu.vector_load %arg11[%swap3A_400] {strides = array<i32>} : memref<16xi32, #tpu.memory_space<vmem>>, vector<16xi32>,
      tpu.vector_store %arg11[%swap3A_400], %min3A_399 {strides = array<i32>} : memref<16xi32, #tpu.memory_space<vmem>>, vector<16xi32>,
      %xor3A_402 = arith.constant 4 : i32
      %xor3A_403 = vector.broadcast %xor3A_402 : i32 to vector<16xi32>
      %xor3A_404 = arith.xori %iota3A, %xor3A_403 : vector<16xi32>
      %gather3A_405 = tpu.vector_load_idx %arg11[%xor3A_404] : memref<16xi32, #tpu.memory_space<vmem>>[vector<16xi32>], vector<16xi32>,
      %min3A_406 = arith.minsi %min3A_399, %gather3A_405 : vector<16xi32>
      %swap3A_407 = arith.constant 0 : index
      %swap3A_408 = tpu.vector_load %arg11[%swap3A_407] {strides = array<i32>} : memref<16xi32, #tpu.memory_space<vmem>>, vector<16xi32>,
      tpu.vector_store %arg11[%swap3A_407], %min3A_406 {strides = array<i32>} : memref<16xi32, #tpu.memory_space<vmem>>, vector<16xi32>,
      %xor3A_409 = arith.constant 8 : i32
      %xor3A_410 = vector.broadcast %xor3A_409 : i32 to vector<16xi32>
      %xor3A_411 = arith.xori %iota3A, %xor3A_410 : vector<16xi32>
      %gather3A_412 = tpu.vector_load_idx %arg11[%xor3A_411] : memref<16xi32, #tpu.memory_space<vmem>>[vector<16xi32>], vector<16xi32>,
      %min3A_413 = arith.minsi %min3A_406, %gather3A_412 : vector<16xi32>
      %sub3A_414 = arith.subf %max3A_357, %max3A_242 : vector<16xf32>
      %eq3A_415 = arith.constant 1 : i32
      %eq3A_416 = vector.broadcast %eq3A_415 : i32 to vector<16xi32>
      %eq3A_417 = arith.cmpi eq, %iota3A, %eq3A_416 : vector<16xi32>
      %eq3A_418 = arith.constant 3 : i32
      %eq3A_419 = vector.broadcast %eq3A_418 : i32 to vector<16xi32>
      %eq3A_420 = arith.cmpi eq, %iota3A, %eq3A_419 : vector<16xi32>
      %jit3A_421 = arith.constant 0.000000e+00 : f32
      %broadcast_in_dim3A_422 = vector.broadcast %jit3A_421 : f32 to vector<16xf32>
      %select_n3A_423 = arith.select %eq3A_420, %sub3A_414, %broadcast_in_dim3A_422 : vector<16xi1>, vector<16xf32>
      %select_n3A_424 = arith.select %eq3A_417, %sub3A, %select_n3A_423 : vector<16xi1>, vector<16xf32>
      %exp3A = math.exp %select_n3A_424 : vector<16xf32>
      %swap3A_425 = arith.constant 0 : index
      %swap3A_426 = tpu.vector_load %arg10[%swap3A_425] {strides = array<i32>} : memref<16xf32, #tpu.memory_space<vmem>>, vector<16xf32>,
      tpu.vector_store %arg10[%swap3A_425], %exp3A {strides = array<i32>} : memref<16xf32, #tpu.memory_space<vmem>>, vector<16xf32>,
      %broadcast_in_dim3A_427 = arith.constant 1 : i32
      %broadcast_in_dim3A_428 = vector.broadcast %broadcast_in_dim3A_427 : i32 to vector<16xi32>
      %gather3A_429 = tpu.vector_load_idx %arg10[%broadcast_in_dim3A_428] : memref<16xf32, #tpu.memory_space<vmem>>[vector<16xi32>], vector<16xf32>,
      %broadcast_in_dim3A_430 = arith.constant 3 : i32
      %broadcast_in_dim3A_431 = vector.broadcast %broadcast_in_dim3A_430 : i32 to vector<16xi32>
      %gather3A_432 = tpu.vector_load_idx %arg10[%broadcast_in_dim3A_431] : memref<16xf32, #tpu.memory_space<vmem>>[vector<16xi32>], vector<16xf32>,
      %eq3A_433 = arith.constant 0 : i32
      %eq3A_434 = vector.broadcast %eq3A_433 : i32 to vector<16xi32>
      %eq3A_435 = arith.cmpi eq, %iota3A, %eq3A_434 : vector<16xi32>
      %eq3A_436 = arith.constant 2 : i32
      %eq3A_437 = vector.broadcast %eq3A_436 : i32 to vector<16xi32>
      %eq3A_438 = arith.cmpi eq, %iota3A, %eq3A_437 : vector<16xi32>
      %or3A = arith.ori %eq3A_435, %eq3A_438 : vector<16xi1>
      %jit3A_439 = arith.constant 1.000000e+00 : f32
      %broadcast_in_dim3A_440 = vector.broadcast %jit3A_439 : f32 to vector<16xf32>
      %select_n3A_441 = arith.select %or3A, %broadcast_in_dim3A_440, %exp3A : vector<16xi1>, vector<16xf32>
      %lt3A = arith.constant 2 : i32
      %lt3A_442 = vector.broadcast %lt3A : i32 to vector<16xi32>
      %lt3A_443 = arith.cmpi slt, %iota3A, %lt3A_442 : vector<16xi32>
      %add3A_444 = arith.constant 1.000000e+00 : f32
      %add3A_445 = vector.broadcast %add3A_444 : f32 to vector<16xf32>
      %add3A_446 = arith.addf %add3A_445, %gather3A_429 : vector<16xf32>
      %add3A_447 = arith.constant 1.000000e+00 : f32
      %add3A_448 = vector.broadcast %add3A_447 : f32 to vector<16xf32>
      %add3A_449 = arith.addf %add3A_448, %gather3A_432 : vector<16xf32>
      %select_n3A_450 = arith.select %lt3A_443, %add3A_446, %add3A_449 : vector<16xi1>, vector<16xf32>
      %div3A = arith.divf %select_n3A_441, %select_n3A_450 : vector<16xf32>
      %swap3A_451 = arith.constant 0 : index
      %swap3A_452 = tpu.vector_load %arg8[%swap3A_451] {strides = array<i32>} : memref<16xf32, #tpu.memory_space<vmem>>, vector<16xf32>,
      tpu.vector_store %arg8[%swap3A_451], %div3A {strides = array<i32>} : memref<16xf32, #tpu.memory_space<vmem>>, vector<16xf32>,
      %eq3A_453 = arith.constant 0 : i32
      %eq3A_454 = vector.broadcast %eq3A_453 : i32 to vector<16xi32>
      %eq3A_455 = arith.cmpi eq, %iota3A, %eq3A_454 : vector<16xi32>
      %eq3A_456 = arith.constant 1 : i32
      %eq3A_457 = vector.broadcast %eq3A_456 : i32 to vector<16xi32>
      %eq3A_458 = arith.cmpi eq, %iota3A, %eq3A_457 : vector<16xi32>
      %eq3A_459 = arith.constant 2 : i32
      %eq3A_460 = vector.broadcast %eq3A_459 : i32 to vector<16xi32>
      %eq3A_461 = arith.cmpi eq, %iota3A, %eq3A_460 : vector<16xi32>
      %eq3A_462 = arith.constant 3 : i32
      %eq3A_463 = vector.broadcast %eq3A_462 : i32 to vector<16xi32>
      %eq3A_464 = arith.cmpi eq, %iota3A, %eq3A_463 : vector<16xi32>
      %jit3A_465 = arith.constant 0 : i32
      %broadcast_in_dim3A_466 = vector.broadcast %jit3A_465 : i32 to vector<16xi32>
      %select_n3A_467 = arith.select %eq3A_464, %min3A_413, %broadcast_in_dim3A_466 : vector<16xi1>, vector<16xi32>
      %select_n3A_468 = arith.select %eq3A_461, %min3A_298, %select_n3A_467 : vector<16xi1>, vector<16xi32>
      %select_n3A_469 = arith.select %eq3A_458, %min3A_203, %select_n3A_468 : vector<16xi1>, vector<16xi32>
      %select_n3A_470 = arith.select %eq3A_455, %min3A_88, %select_n3A_469 : vector<16xi1>, vector<16xi32>
      %swap3A_471 = arith.constant 0 : index
      %swap3A_472 = tpu.vector_load %arg7[%swap3A_471] {strides = array<i32>} : memref<16xi32, #tpu.memory_space<vmem>>, vector<16xi32>,
      tpu.vector_store %arg7[%swap3A_471], %select_n3A_470 {strides = array<i32>} : memref<16xi32, #tpu.memory_space<vmem>>, vector<16xi32>,
      %broadcast_in_dim3A_473 = arith.constant 0.000000e+00 : f32
      %broadcast_in_dim3A_474 = vector.broadcast %broadcast_in_dim3A_473 : f32 to vector<16xf32>
      %add3A_475 = arith.constant 0 : i32
      %add3A_476 = vector.broadcast %add3A_475 : i32 to vector<16xi32>
      %add3A_477 = arith.addi %iota3A, %add3A_476 : vector<16xi32>
      %eq3A_478 = arith.cmpi eq, %add3A_477, %min3A_88 : vector<16xi32>
      %convert_element_type3A_479 = arith.extui %eq3A_478 : vector<16xi1> to vector<16xi32>
      %convert_element_type3A_480 = arith.sitofp %convert_element_type3A_479 : vector<16xi32> to vector<16xf32>
      %eq3A_481 = arith.cmpi eq, %add3A_477, %min3A_203 : vector<16xi32>
      %convert_element_type3A_482 = arith.extui %eq3A_481 : vector<16xi1> to vector<16xi32>
      %convert_element_type3A_483 = arith.sitofp %convert_element_type3A_482 : vector<16xi32> to vector<16xf32>
      %add3A_484 = arith.addf %convert_element_type3A_480, %convert_element_type3A_483 : vector<16xf32>
      %eq3A_485 = arith.cmpi eq, %add3A_477, %min3A_298 : vector<16xi32>
      %convert_element_type3A_486 = arith.extui %eq3A_485 : vector<16xi1> to vector<16xi32>
      %convert_element_type3A_487 = arith.sitofp %convert_element_type3A_486 : vector<16xi32> to vector<16xf32>
      %add3A_488 = arith.addf %add3A_484, %convert_element_type3A_487 : vector<16xf32>
      %eq3A_489 = arith.cmpi eq, %add3A_477, %min3A_413 : vector<16xi32>
      %convert_element_type3A_490 = arith.extui %eq3A_489 : vector<16xi1> to vector<16xi32>
      %convert_element_type3A_491 = arith.sitofp %convert_element_type3A_490 : vector<16xi32> to vector<16xf32>
      %add3A_492 = arith.addf %add3A_488, %convert_element_type3A_491 : vector<16xf32>
      %mul3A_493 = arith.constant 5.000000e-03 : f32
      %mul3A_494 = vector.broadcast %mul3A_493 : f32 to vector<16xf32>
      %mul3A_495 = arith.mulf %add3A_492, %mul3A_494 : vector<16xf32>
      %add3A_496 = arith.addf %broadcast_in_dim3A_474, %mul3A_495 : vector<16xf32>
      %add3A_497 = arith.constant 16 : i32
      %add3A_498 = vector.broadcast %add3A_497 : i32 to vector<16xi32>
      %add3A_499 = arith.addi %iota3A, %add3A_498 : vector<16xi32>
      %eq3A_500 = arith.cmpi eq, %add3A_499, %min3A_88 : vector<16xi32>
      %convert_element_type3A_501 = arith.extui %eq3A_500 : vector<16xi1> to vector<16xi32>
      %convert_element_type3A_502 = arith.sitofp %convert_element_type3A_501 : vector<16xi32> to vector<16xf32>
      %eq3A_503 = arith.cmpi eq, %add3A_499, %min3A_203 : vector<16xi32>
      %convert_element_type3A_504 = arith.extui %eq3A_503 : vector<16xi1> to vector<16xi32>
      %convert_element_type3A_505 = arith.sitofp %convert_element_type3A_504 : vector<16xi32> to vector<16xf32>
      %add3A_506 = arith.addf %convert_element_type3A_502, %convert_element_type3A_505 : vector<16xf32>
      %eq3A_507 = arith.cmpi eq, %add3A_499, %min3A_298 : vector<16xi32>
      %convert_element_type3A_508 = arith.extui %eq3A_507 : vector<16xi1> to vector<16xi32>
      %convert_element_type3A_509 = arith.sitofp %convert_element_type3A_508 : vector<16xi32> to vector<16xf32>
      %add3A_510 = arith.addf %add3A_506, %convert_element_type3A_509 : vector<16xf32>
      %eq3A_511 = arith.cmpi eq, %add3A_499, %min3A_413 : vector<16xi32>
      %convert_element_type3A_512 = arith.extui %eq3A_511 : vector<16xi1> to vector<16xi32>
      %convert_element_type3A_513 = arith.sitofp %convert_element_type3A_512 : vector<16xi32> to vector<16xf32>
      %add3A_514 = arith.addf %add3A_510, %convert_element_type3A_513 : vector<16xf32>
      %mul3A_515 = arith.constant 5.000000e-03 : f32
      %mul3A_516 = vector.broadcast %mul3A_515 : f32 to vector<16xf32>
      %mul3A_517 = arith.mulf %add3A_514, %mul3A_516 : vector<16xf32>
      %add3A_518 = arith.addf %add3A_496, %mul3A_517 : vector<16xf32>
      %add3A_519 = arith.constant 32 : i32
      %add3A_520 = vector.broadcast %add3A_519 : i32 to vector<16xi32>
      %add3A_521 = arith.addi %iota3A, %add3A_520 : vector<16xi32>
      %eq3A_522 = arith.cmpi eq, %add3A_521, %min3A_88 : vector<16xi32>
      %convert_element_type3A_523 = arith.extui %eq3A_522 : vector<16xi1> to vector<16xi32>
      %convert_element_type3A_524 = arith.sitofp %convert_element_type3A_523 : vector<16xi32> to vector<16xf32>
      %eq3A_525 = arith.cmpi eq, %add3A_521, %min3A_203 : vector<16xi32>
      %convert_element_type3A_526 = arith.extui %eq3A_525 : vector<16xi1> to vector<16xi32>
      %convert_element_type3A_527 = arith.sitofp %convert_element_type3A_526 : vector<16xi32> to vector<16xf32>
      %add3A_528 = arith.addf %convert_element_type3A_524, %convert_element_type3A_527 : vector<16xf32>
      %eq3A_529 = arith.cmpi eq, %add3A_521, %min3A_298 : vector<16xi32>
      %convert_element_type3A_530 = arith.extui %eq3A_529 : vector<16xi1> to vector<16xi32>
      %convert_element_type3A_531 = arith.sitofp %convert_element_type3A_530 : vector<16xi32> to vector<16xf32>
      %add3A_532 = arith.addf %add3A_528, %convert_element_type3A_531 : vector<16xf32>
      %eq3A_533 = arith.cmpi eq, %add3A_521, %min3A_413 : vector<16xi32>
      %convert_element_type3A_534 = arith.extui %eq3A_533 : vector<16xi1> to vector<16xi32>
      %convert_element_type3A_535 = arith.sitofp %convert_element_type3A_534 : vector<16xi32> to vector<16xf32>
      %add3A_536 = arith.addf %add3A_532, %convert_element_type3A_535 : vector<16xf32>
      %mul3A_537 = arith.constant 5.000000e-03 : f32
      %mul3A_538 = vector.broadcast %mul3A_537 : f32 to vector<16xf32>
      %mul3A_539 = arith.mulf %add3A_536, %mul3A_538 : vector<16xf32>
      %add3A_540 = arith.addf %add3A_518, %mul3A_539 : vector<16xf32>
      %add3A_541 = arith.constant 48 : i32
      %add3A_542 = vector.broadcast %add3A_541 : i32 to vector<16xi32>
      %add3A_543 = arith.addi %iota3A, %add3A_542 : vector<16xi32>
      %eq3A_544 = arith.cmpi eq, %add3A_543, %min3A_88 : vector<16xi32>
      %convert_element_type3A_545 = arith.extui %eq3A_544 : vector<16xi1> to vector<16xi32>
      %convert_element_type3A_546 = arith.sitofp %convert_element_type3A_545 : vector<16xi32> to vector<16xf32>
      %eq3A_547 = arith.cmpi eq, %add3A_543, %min3A_203 : vector<16xi32>
      %convert_element_type3A_548 = arith.extui %eq3A_547 : vector<16xi1> to vector<16xi32>
      %convert_element_type3A_549 = arith.sitofp %convert_element_type3A_548 : vector<16xi32> to vector<16xf32>
      %add3A_550 = arith.addf %convert_element_type3A_546, %convert_element_type3A_549 : vector<16xf32>
      %eq3A_551 = arith.cmpi eq, %add3A_543, %min3A_298 : vector<16xi32>
      %convert_element_type3A_552 = arith.extui %eq3A_551 : vector<16xi1> to vector<16xi32>
      %convert_element_type3A_553 = arith.sitofp %convert_element_type3A_552 : vector<16xi32> to vector<16xf32>
      %add3A_554 = arith.addf %add3A_550, %convert_element_type3A_553 : vector<16xf32>
      %eq3A_555 = arith.cmpi eq, %add3A_543, %min3A_413 : vector<16xi32>
      %convert_element_type3A_556 = arith.extui %eq3A_555 : vector<16xi1> to vector<16xi32>
      %convert_element_type3A_557 = arith.sitofp %convert_element_type3A_556 : vector<16xi32> to vector<16xf32>
      %add3A_558 = arith.addf %add3A_554, %convert_element_type3A_557 : vector<16xf32>
      %mul3A_559 = arith.constant 5.000000e-03 : f32
      %mul3A_560 = vector.broadcast %mul3A_559 : f32 to vector<16xf32>
      %mul3A_561 = arith.mulf %add3A_558, %mul3A_560 : vector<16xf32>
      %add3A_562 = arith.addf %add3A_540, %mul3A_561 : vector<16xf32>
      %swap3A_563 = arith.constant 0 : index
      %swap3A_564 = tpu.vector_load %arg10[%swap3A_563] {strides = array<i32>} : memref<16xf32, #tpu.memory_space<vmem>>, vector<16xf32>,
      tpu.vector_store %arg10[%swap3A_563], %add3A_562 {strides = array<i32>} : memref<16xf32, #tpu.memory_space<vmem>>, vector<16xf32>,
      %xor3A_565 = arith.constant 1 : i32
      %xor3A_566 = vector.broadcast %xor3A_565 : i32 to vector<16xi32>
      %xor3A_567 = arith.xori %iota3A, %xor3A_566 : vector<16xi32>
      %gather3A_568 = tpu.vector_load_idx %arg10[%xor3A_567] : memref<16xf32, #tpu.memory_space<vmem>>[vector<16xi32>], vector<16xf32>,
      %add3A_569 = arith.addf %add3A_562, %gather3A_568 : vector<16xf32>
      %swap3A_570 = arith.constant 0 : index
      %swap3A_571 = tpu.vector_load %arg10[%swap3A_570] {strides = array<i32>} : memref<16xf32, #tpu.memory_space<vmem>>, vector<16xf32>,
      tpu.vector_store %arg10[%swap3A_570], %add3A_569 {strides = array<i32>} : memref<16xf32, #tpu.memory_space<vmem>>, vector<16xf32>,
      %xor3A_572 = arith.constant 2 : i32
      %xor3A_573 = vector.broadcast %xor3A_572 : i32 to vector<16xi32>
      %xor3A_574 = arith.xori %iota3A, %xor3A_573 : vector<16xi32>
      %gather3A_575 = tpu.vector_load_idx %arg10[%xor3A_574] : memref<16xf32, #tpu.memory_space<vmem>>[vector<16xi32>], vector<16xf32>,
      %add3A_576 = arith.addf %add3A_569, %gather3A_575 : vector<16xf32>
      %swap3A_577 = arith.constant 0 : index
      %swap3A_578 = tpu.vector_load %arg10[%swap3A_577] {strides = array<i32>} : memref<16xf32, #tpu.memory_space<vmem>>, vector<16xf32>,
      tpu.vector_store %arg10[%swap3A_577], %add3A_576 {strides = array<i32>} : memref<16xf32, #tpu.memory_space<vmem>>, vector<16xf32>,
      %xor3A_579 = arith.constant 4 : i32
      %xor3A_580 = vector.broadcast %xor3A_579 : i32 to vector<16xi32>
      %xor3A_581 = arith.xori %iota3A, %xor3A_580 : vector<16xi32>
      %gather3A_582 = tpu.vector_load_idx %arg10[%xor3A_581] : memref<16xf32, #tpu.memory_space<vmem>>[vector<16xi32>], vector<16xf32>,
      %add3A_583 = arith.addf %add3A_576, %gather3A_582 : vector<16xf32>
      %swap3A_584 = arith.constant 0 : index
      %swap3A_585 = tpu.vector_load %arg10[%swap3A_584] {strides = array<i32>} : memref<16xf32, #tpu.memory_space<vmem>>, vector<16xf32>,
      tpu.vector_store %arg10[%swap3A_584], %add3A_583 {strides = array<i32>} : memref<16xf32, #tpu.memory_space<vmem>>, vector<16xf32>,
      %xor3A_586 = arith.constant 8 : i32
      %xor3A_587 = vector.broadcast %xor3A_586 : i32 to vector<16xi32>
      %xor3A_588 = arith.xori %iota3A, %xor3A_587 : vector<16xi32>
      %gather3A_589 = tpu.vector_load_idx %arg10[%xor3A_588] : memref<16xf32, #tpu.memory_space<vmem>>[vector<16xi32>], vector<16xf32>,
      %add3A_590 = arith.addf %add3A_583, %gather3A_589 : vector<16xf32>
      %broadcast_in_dim3A_591 = arith.constant 0.000000e+00 : f32
      %broadcast_in_dim3A_592 = vector.broadcast %broadcast_in_dim3A_591 : f32 to vector<16xf32>
      %add3A_593 = arith.constant 9.99999971E-10 : f32
      %add3A_594 = vector.broadcast %add3A_593 : f32 to vector<16xf32>
      %add3A_595 = arith.addf %add3A_590, %add3A_594 : vector<16xf32>
      %div3A_596 = arith.divf %mul3A_495, %add3A_595 : vector<16xf32>
      %mul3A_597 = arith.mulf %div3A_596, %div3A_596 : vector<16xf32>
      %add3A_598 = arith.addf %broadcast_in_dim3A_592, %mul3A_597 : vector<16xf32>
      %add3A_599 = arith.constant 9.99999971E-10 : f32
      %add3A_600 = vector.broadcast %add3A_599 : f32 to vector<16xf32>
      %add3A_601 = arith.addf %add3A_590, %add3A_600 : vector<16xf32>
      %div3A_602 = arith.divf %mul3A_517, %add3A_601 : vector<16xf32>
      %mul3A_603 = arith.mulf %div3A_602, %div3A_602 : vector<16xf32>
      %add3A_604 = arith.addf %add3A_598, %mul3A_603 : vector<16xf32>
      %add3A_605 = arith.constant 9.99999971E-10 : f32
      %add3A_606 = vector.broadcast %add3A_605 : f32 to vector<16xf32>
      %add3A_607 = arith.addf %add3A_590, %add3A_606 : vector<16xf32>
      %div3A_608 = arith.divf %mul3A_539, %add3A_607 : vector<16xf32>
      %mul3A_609 = arith.mulf %div3A_608, %div3A_608 : vector<16xf32>
      %add3A_610 = arith.addf %add3A_604, %mul3A_609 : vector<16xf32>
      %add3A_611 = arith.constant 9.99999971E-10 : f32
      %add3A_612 = vector.broadcast %add3A_611 : f32 to vector<16xf32>
      %add3A_613 = arith.addf %add3A_590, %add3A_612 : vector<16xf32>
      %div3A_614 = arith.divf %mul3A_561, %add3A_613 : vector<16xf32>
      %mul3A_615 = arith.mulf %div3A_614, %div3A_614 : vector<16xf32>
      %add3A_616 = arith.addf %add3A_610, %mul3A_615 : vector<16xf32>
      %swap3A_617 = arith.constant 0 : index
      %swap3A_618 = tpu.vector_load %arg10[%swap3A_617] {strides = array<i32>} : memref<16xf32, #tpu.memory_space<vmem>>, vector<16xf32>,
      tpu.vector_store %arg10[%swap3A_617], %add3A_616 {strides = array<i32>} : memref<16xf32, #tpu.memory_space<vmem>>, vector<16xf32>,
      %xor3A_619 = arith.constant 1 : i32
      %xor3A_620 = vector.broadcast %xor3A_619 : i32 to vector<16xi32>
      %xor3A_621 = arith.xori %iota3A, %xor3A_620 : vector<16xi32>
      %gather3A_622 = tpu.vector_load_idx %arg10[%xor3A_621] : memref<16xf32, #tpu.memory_space<vmem>>[vector<16xi32>], vector<16xf32>,
      %add3A_623 = arith.addf %add3A_616, %gather3A_622 : vector<16xf32>
      %swap3A_624 = arith.constant 0 : index
      %swap3A_625 = tpu.vector_load %arg10[%swap3A_624] {strides = array<i32>} : memref<16xf32, #tpu.memory_space<vmem>>, vector<16xf32>,
      tpu.vector_store %arg10[%swap3A_624], %add3A_623 {strides = array<i32>} : memref<16xf32, #tpu.memory_space<vmem>>, vector<16xf32>,
      %xor3A_626 = arith.constant 2 : i32
      %xor3A_627 = vector.broadcast %xor3A_626 : i32 to vector<16xi32>
      %xor3A_628 = arith.xori %iota3A, %xor3A_627 : vector<16xi32>
      %gather3A_629 = tpu.vector_load_idx %arg10[%xor3A_628] : memref<16xf32, #tpu.memory_space<vmem>>[vector<16xi32>], vector<16xf32>,
      %add3A_630 = arith.addf %add3A_623, %gather3A_629 : vector<16xf32>
      %swap3A_631 = arith.constant 0 : index
      %swap3A_632 = tpu.vector_load %arg10[%swap3A_631] {strides = array<i32>} : memref<16xf32, #tpu.memory_space<vmem>>, vector<16xf32>,
      tpu.vector_store %arg10[%swap3A_631], %add3A_630 {strides = array<i32>} : memref<16xf32, #tpu.memory_space<vmem>>, vector<16xf32>,
      %xor3A_633 = arith.constant 4 : i32
      %xor3A_634 = vector.broadcast %xor3A_633 : i32 to vector<16xi32>
      %xor3A_635 = arith.xori %iota3A, %xor3A_634 : vector<16xi32>
      %gather3A_636 = tpu.vector_load_idx %arg10[%xor3A_635] : memref<16xf32, #tpu.memory_space<vmem>>[vector<16xi32>], vector<16xf32>,
      %add3A_637 = arith.addf %add3A_630, %gather3A_636 : vector<16xf32>
      %swap3A_638 = arith.constant 0 : index
      %swap3A_639 = tpu.vector_load %arg10[%swap3A_638] {strides = array<i32>} : memref<16xf32, #tpu.memory_space<vmem>>, vector<16xf32>,
      tpu.vector_store %arg10[%swap3A_638], %add3A_637 {strides = array<i32>} : memref<16xf32, #tpu.memory_space<vmem>>, vector<16xf32>,
      %xor3A_640 = arith.constant 8 : i32
      %xor3A_641 = vector.broadcast %xor3A_640 : i32 to vector<16xi32>
      %xor3A_642 = arith.xori %iota3A, %xor3A_641 : vector<16xi32>
      %gather3A_643 = tpu.vector_load_idx %arg10[%xor3A_642] : memref<16xf32, #tpu.memory_space<vmem>>[vector<16xi32>], vector<16xf32>,
      %add3A_644 = arith.addf %add3A_637, %gather3A_643 : vector<16xf32>
      %eq3A_645 = arith.constant 0 : i32
      %eq3A_646 = vector.broadcast %eq3A_645 : i32 to vector<16xi32>
      %eq3A_647 = arith.cmpi eq, %iota3A, %eq3A_646 : vector<16xi32>
      %mul3A_648 = arith.constant 6.400000e+01 : f32
      %mul3A_649 = vector.broadcast %mul3A_648 : f32 to vector<16xf32>
      %mul3A_650 = arith.mulf %add3A_644, %mul3A_649 : vector<16xf32>
      %jit3A_651 = arith.constant 0.000000e+00 : f32
      %broadcast_in_dim3A_652 = vector.broadcast %jit3A_651 : f32 to vector<16xf32>
      %select_n3A_653 = arith.select %eq3A_647, %mul3A_650, %broadcast_in_dim3A_652 : vector<16xi1>, vector<16xf32>
      %swap3A_654 = arith.constant 0 : index
      %swap3A_655 = tpu.vector_load %arg9[%swap3A_654] {strides = array<i32>} : memref<16xf32, #tpu.memory_space<vmem>>, vector<16xf32>,
      tpu.vector_store %arg9[%swap3A_654], %select_n3A_653 {strides = array<i32>} : memref<16xf32, #tpu.memory_space<vmem>>, vector<16xf32>,
      "tpu.region"() ({
        %run_scoped3A = tpu.sem_alloc : memref<!tpu.dma_semaphore, #tpu.memory_space<semaphore_mem>>
        tpu.enqueue_dma source(%arg7 : memref<16xi32, #tpu.memory_space<vmem>>) target(%arg3 : memref<16xi32, #tpu.memory_space<hbm>>) target_semaphore(%run_scoped3A : memref<!tpu.dma_semaphore, #tpu.memory_space<semaphore_mem>>)
        tpu.wait_dma2 semaphore(%run_scoped3A : memref<!tpu.dma_semaphore, #tpu.memory_space<semaphore_mem>>) src(%arg7 : memref<16xi32, #tpu.memory_space<vmem>>) dst(%arg3 : memref<16xi32, #tpu.memory_space<hbm>>)
        tpu.yield
      }) : () -> ()
      "tpu.region"() ({
        %run_scoped3A = tpu.sem_alloc : memref<!tpu.dma_semaphore, #tpu.memory_space<semaphore_mem>>
        tpu.enqueue_dma source(%arg8 : memref<16xf32, #tpu.memory_space<vmem>>) target(%arg4 : memref<16xf32, #tpu.memory_space<hbm>>) target_semaphore(%run_scoped3A : memref<!tpu.dma_semaphore, #tpu.memory_space<semaphore_mem>>)
        tpu.wait_dma2 semaphore(%run_scoped3A : memref<!tpu.dma_semaphore, #tpu.memory_space<semaphore_mem>>) src(%arg8 : memref<16xf32, #tpu.memory_space<vmem>>) dst(%arg4 : memref<16xf32, #tpu.memory_space<hbm>>)
        tpu.yield
      }) : () -> ()
      "tpu.region"() ({
        %run_scoped3A = tpu.sem_alloc : memref<!tpu.dma_semaphore, #tpu.memory_space<semaphore_mem>>
        tpu.enqueue_dma source(%arg9 : memref<16xf32, #tpu.memory_space<vmem>>) target(%arg5 : memref<16xf32, #tpu.memory_space<hbm>>) target_semaphore(%run_scoped3A : memref<!tpu.dma_semaphore, #tpu.memory_space<semaphore_mem>>)
        tpu.wait_dma2 semaphore(%run_scoped3A : memref<!tpu.dma_semaphore, #tpu.memory_space<semaphore_mem>>) src(%arg9 : memref<16xf32, #tpu.memory_space<vmem>>) dst(%arg5 : memref<16xf32, #tpu.memory_space<hbm>>)
        tpu.yield
      }) : () -> ()
    } else {
    }
    return
  }
}

module attributes {stable_mosaic.version = 14 : i64} {
  func.func @_attn_out_kernel(%arg0: i32, %arg1: i32, %arg2: i32, %arg3: i32, %arg4: memref<4xi32, #tpu.memory_space<smem>>, %arg5: memref<4xf32, #tpu.memory_space<smem>>, %arg6: memref<1x2048x128xbf16, #tpu.memory_space<vmem>>, %arg7: memref<1x2048x128xbf16, #tpu.memory_space<vmem>>, %arg8: memref<1x2048x128xbf16, #tpu.memory_space<vmem>>, %arg9: memref<1x768x768xf32, #tpu.memory_space<vmem>>, %arg10: memref<1x1x768xf32, #tpu.memory_space<vmem>>, %arg11: memref<1x2048x768xf32, #tpu.memory_space<vmem>>, %arg12: memref<2048x768xbf16, #tpu.memory_space<vmem>>) attributes {dimension_semantics = [#tpu.dimension_semantics<arbitrary>, #tpu.dimension_semantics<arbitrary>, #tpu.dimension_semantics<arbitrary>, #tpu.dimension_semantics<arbitrary>], iteration_bounds = array<i64: 2, 1, 2, 6>, scalar_prefetch = 2 : i64, scratch_operands = 1 : i64, tpu.core_type = #tpu.core_type<tc>, window_params = [{transform_indices = @transform_0, window_bounds = array<i64: 1, 2048, 128>}, {transform_indices = @transform_1, window_bounds = array<i64: 1, 2048, 128>}, {transform_indices = @transform_2, window_bounds = array<i64: 1, 2048, 128>}, {transform_indices = @transform_3, window_bounds = array<i64: 1, 768, 768>}, {transform_indices = @transform_4, window_bounds = array<i64: 1, 1, 768>}, {transform_indices = @transform_5, window_bounds = array<i64: 1, 2048, 768>}]} {
    %mul3A = arith.constant 2 : i32
    %mul3A_0 = arith.muli %arg0, %mul3A : i32
    %add3A = arith.addi %mul3A_0, %arg2 : i32
    %get3A = arith.index_cast %add3A : i32 to index
    %get3A_1 = memref.load %arg5[%get3A] : memref<4xf32, #tpu.memory_space<smem>>
    %get3A_2 = arith.constant 0 : index
    %get3A_3 = arith.constant 0 : index
    %get3A_4 = arith.constant 0 : index
    %get3A_5 = vector.load %arg6[%get3A_2, %get3A_3, %get3A_4] : memref<1x2048x128xbf16, #tpu.memory_space<vmem>>, vector<1x2048x128xbf16>
    %get3A_6 = vector.shape_cast %get3A_5 : vector<1x2048x128xbf16> to vector<2048x128xbf16>
    %get3A_7 = arith.constant 0 : index
    %get3A_8 = arith.constant 0 : index
    %get3A_9 = arith.constant 0 : index
    %get3A_10 = vector.load %arg7[%get3A_7, %get3A_8, %get3A_9] : memref<1x2048x128xbf16, #tpu.memory_space<vmem>>, vector<1x2048x128xbf16>
    %get3A_11 = vector.shape_cast %get3A_10 : vector<1x2048x128xbf16> to vector<2048x128xbf16>
    %get3A_12 = arith.constant 0 : index
    %get3A_13 = arith.constant 0 : index
    %get3A_14 = arith.constant 0 : index
    %get3A_15 = vector.load %arg8[%get3A_12, %get3A_13, %get3A_14] : memref<1x2048x128xbf16, #tpu.memory_space<vmem>>, vector<1x2048x128xbf16>
    %get3A_16 = vector.shape_cast %get3A_15 : vector<1x2048x128xbf16> to vector<2048x128xbf16>
    %broadcast_in_dim3A = arith.constant 1.000000e+00 : bf16
    %broadcast_in_dim3A_17 = vector.broadcast %broadcast_in_dim3A : bf16 to vector<2048x64xbf16>
    %slice3A = vector.extract_strided_slice %get3A_6 {offsets = [0, 0], sizes = [2048, 64], strides = [1, 1]} : vector<2048x128xbf16> to vector<2048x64xbf16>
    %slice3A_18 = vector.extract_strided_slice %get3A_11 {offsets = [0, 0], sizes = [2048, 64], strides = [1, 1]} : vector<2048x128xbf16> to vector<2048x64xbf16>
    %slice3A_19 = vector.extract_strided_slice %get3A_16 {offsets = [0, 0], sizes = [2048, 64], strides = [1, 1]} : vector<2048x128xbf16> to vector<2048x64xbf16>
    %dot_general3A = arith.constant dense<0.000000e+00> : vector<2048x2048xf32>
    %dot_general3A_20 = tpu.matmul %slice3A, %slice3A_18, %dot_general3A {dimension_numbers = #tpu.dot_dimension_numbers<[1], [1], [0], [0], [0, 0, 1, 0], [], []>, transpose_lhs_hint = false} : vector<2048x64xbf16>, vector<2048x64xbf16>, vector<2048x2048xf32> -> vector<2048x2048xf32>
    %exp23A = math.exp2 %dot_general3A_20 : vector<2048x2048xf32>
    %convert_element_type3A = arith.truncf %exp23A : vector<2048x2048xf32> to vector<2048x2048xbf16>
    %concatenate3A = tpu.concatenate %slice3A_19, %broadcast_in_dim3A_17 in 1 : vector<2048x64xbf16>, vector<2048x64xbf16> -> vector<2048x128xbf16>
    %dot_general3A_21 = arith.constant dense<0.000000e+00> : vector<2048x128xf32>
    %dot_general3A_22 = tpu.matmul %convert_element_type3A, %concatenate3A, %dot_general3A_21 {dimension_numbers = #tpu.dot_dimension_numbers<[1], [0], [0], [1], [0, 0, 1, 1], [], []>, transpose_lhs_hint = false} : vector<2048x2048xbf16>, vector<2048x128xbf16>, vector<2048x128xf32> -> vector<2048x128xf32>
    %slice3A_23 = vector.extract_strided_slice %dot_general3A_22 {offsets = [0, 0], sizes = [2048, 64], strides = [1, 1]} : vector<2048x128xf32> to vector<2048x64xf32>
    %slice3A_24 = vector.extract_strided_slice %dot_general3A_22 {offsets = [0, 64], sizes = [2048, 1], strides = [1, 1]} : vector<2048x128xf32> to vector<2048x1xf32>
    %div3A = vector.broadcast %get3A_1 : f32 to vector<2048x1xf32>
    %div3A_25 = arith.divf %div3A, %slice3A_24 : vector<2048x1xf32>
    %mul3A_26 = vector.broadcast %div3A_25 : vector<2048x1xf32> to vector<2048x64xf32>
    %mul3A_27 = arith.mulf %slice3A_23, %mul3A_26 : vector<2048x64xf32>
    %convert_element_type3A_28 = arith.truncf %mul3A_27 : vector<2048x64xf32> to vector<2048x64xbf16>
    %slice3A_29 = vector.extract_strided_slice %get3A_6 {offsets = [0, 64], sizes = [2048, 64], strides = [1, 1]} : vector<2048x128xbf16> to vector<2048x64xbf16>
    %slice3A_30 = vector.extract_strided_slice %get3A_11 {offsets = [0, 64], sizes = [2048, 64], strides = [1, 1]} : vector<2048x128xbf16> to vector<2048x64xbf16>
    %slice3A_31 = vector.extract_strided_slice %get3A_16 {offsets = [0, 64], sizes = [2048, 64], strides = [1, 1]} : vector<2048x128xbf16> to vector<2048x64xbf16>
    %dot_general3A_32 = arith.constant dense<0.000000e+00> : vector<2048x2048xf32>
    %dot_general3A_33 = tpu.matmul %slice3A_29, %slice3A_30, %dot_general3A_32 {dimension_numbers = #tpu.dot_dimension_numbers<[1], [1], [0], [0], [0, 0, 1, 0], [], []>, transpose_lhs_hint = false} : vector<2048x64xbf16>, vector<2048x64xbf16>, vector<2048x2048xf32> -> vector<2048x2048xf32>
    %exp23A_34 = math.exp2 %dot_general3A_33 : vector<2048x2048xf32>
    %convert_element_type3A_35 = arith.truncf %exp23A_34 : vector<2048x2048xf32> to vector<2048x2048xbf16>
    %concatenate3A_36 = tpu.concatenate %slice3A_31, %broadcast_in_dim3A_17 in 1 : vector<2048x64xbf16>, vector<2048x64xbf16> -> vector<2048x128xbf16>
    %dot_general3A_37 = arith.constant dense<0.000000e+00> : vector<2048x128xf32>
    %dot_general3A_38 = tpu.matmul %convert_element_type3A_35, %concatenate3A_36, %dot_general3A_37 {dimension_numbers = #tpu.dot_dimension_numbers<[1], [0], [0], [1], [0, 0, 1, 1], [], []>, transpose_lhs_hint = false} : vector<2048x2048xbf16>, vector<2048x128xbf16>, vector<2048x128xf32> -> vector<2048x128xf32>
    %slice3A_39 = vector.extract_strided_slice %dot_general3A_38 {offsets = [0, 0], sizes = [2048, 64], strides = [1, 1]} : vector<2048x128xf32> to vector<2048x64xf32>
    %slice3A_40 = vector.extract_strided_slice %dot_general3A_38 {offsets = [0, 64], sizes = [2048, 1], strides = [1, 1]} : vector<2048x128xf32> to vector<2048x1xf32>
    %div3A_41 = vector.broadcast %get3A_1 : f32 to vector<2048x1xf32>
    %div3A_42 = arith.divf %div3A_41, %slice3A_40 : vector<2048x1xf32>
    %mul3A_43 = vector.broadcast %div3A_42 : vector<2048x1xf32> to vector<2048x64xf32>
    %mul3A_44 = arith.mulf %slice3A_39, %mul3A_43 : vector<2048x64xf32>
    %convert_element_type3A_45 = arith.truncf %mul3A_44 : vector<2048x64xf32> to vector<2048x64xbf16>
    %concatenate3A_46 = tpu.concatenate %convert_element_type3A_28, %convert_element_type3A_45 in 1 : vector<2048x64xbf16>, vector<2048x64xbf16> -> vector<2048x128xbf16>
    %mul3A_47 = arith.constant 2 : i32
    %mul3A_48 = arith.muli %arg3, %mul3A_47 : i32
    %mul3A_49 = arith.constant 64 : i32
    %mul3A_50 = arith.muli %mul3A_48, %mul3A_49 : i32
    %swap3A = arith.constant 0 : index
    %swap3A_51 = arith.index_cast %mul3A_50 : i32 to index
    %swap3A_52 = vector.load %arg12[%swap3A, %swap3A_51] : memref<2048x768xbf16, #tpu.memory_space<vmem>>, vector<2048x128xbf16>
    tpu.vector_store %arg12[%swap3A, %swap3A_51], %concatenate3A_46 {strides = array<i32>} : memref<2048x768xbf16, #tpu.memory_space<vmem>>, vector<2048x128xbf16>,
    %eq3A = arith.constant 5 : i32
    %eq3A_53 = arith.cmpi eq, %arg3, %eq3A : i32
    %convert_element_type3A_54 = arith.extui %eq3A_53 : i1 to i32
    %cond3A = arith.constant 0 : i32
    %cond3A_55 = arith.cmpi ne, %convert_element_type3A_54, %cond3A : i32
    scf.if %cond3A_55 {
      %get3A_56 = arith.constant 0 : index
      %get3A_57 = arith.constant 0 : index
      %get3A_58 = vector.load %arg12[%get3A_56, %get3A_57] : memref<2048x768xbf16, #tpu.memory_space<vmem>>, vector<2048x768xbf16>
      %get3A_59 = arith.constant 0 : index
      %get3A_60 = arith.constant 0 : index
      %get3A_61 = arith.constant 0 : index
      %get3A_62 = vector.load %arg9[%get3A_59, %get3A_60, %get3A_61] : memref<1x768x768xf32, #tpu.memory_space<vmem>>, vector<1x768x768xf32>
      %get3A_63 = vector.shape_cast %get3A_62 : vector<1x768x768xf32> to vector<768x768xf32>
      %convert_element_type3A_64 = arith.truncf %get3A_63 : vector<768x768xf32> to vector<768x768xbf16>
      %dot_general3A_65 = arith.constant dense<0.000000e+00> : vector<2048x768xf32>
      %dot_general3A_66 = tpu.matmul %get3A_58, %convert_element_type3A_64, %dot_general3A_65 {dimension_numbers = #tpu.dot_dimension_numbers<[1], [1], [0], [0], [0, 0, 1, 0], [], []>, transpose_lhs_hint = false} : vector<2048x768xbf16>, vector<768x768xbf16>, vector<2048x768xf32> -> vector<2048x768xf32>
      %get3A_67 = arith.constant 0 : index
      %get3A_68 = arith.constant 0 : index
      %get3A_69 = arith.constant 0 : index
      %get3A_70 = vector.load %arg10[%get3A_67, %get3A_68, %get3A_69] : memref<1x1x768xf32, #tpu.memory_space<vmem>>, vector<1x1x768xf32>
      %get3A_71 = vector.shape_cast %get3A_70 : vector<1x1x768xf32> to vector<1x768xf32>
      %mul3A_72 = vector.broadcast %get3A_1 : f32 to vector<1x768xf32>
      %mul3A_73 = arith.mulf %get3A_71, %mul3A_72 : vector<1x768xf32>
      %eq3A_74 = arith.constant 0 : i32
      %eq3A_75 = arith.cmpi eq, %arg2, %eq3A_74 : i32
      %convert_element_type3A_76 = arith.extui %eq3A_75 : i1 to i32
      %cond3A_77 = arith.constant 0 : i32
      %cond3A_78 = arith.cmpi ne, %convert_element_type3A_76, %cond3A_77 : i32
      scf.if %cond3A_78 {
        %add3A_83 = vector.broadcast %mul3A_73 : vector<1x768xf32> to vector<2048x768xf32>
        %add3A_84 = arith.addf %dot_general3A_66, %add3A_83 : vector<2048x768xf32>
        %swap3A_85 = arith.constant 0 : index
        %swap3A_86 = arith.constant 0 : index
        %swap3A_87 = arith.constant 0 : index
        %swap3A_88 = vector.load %arg11[%swap3A_85, %swap3A_86, %swap3A_87] : memref<1x2048x768xf32, #tpu.memory_space<vmem>>, vector<1x2048x768xf32>
        %swap3A_89 = vector.shape_cast %swap3A_88 : vector<1x2048x768xf32> to vector<2048x768xf32>
        %swap3A_90 = vector.shape_cast %add3A_84 : vector<2048x768xf32> to vector<1x2048x768xf32>
        tpu.vector_store %arg11[%swap3A_85, %swap3A_86, %swap3A_87], %swap3A_90 {strides = array<i32>} : memref<1x2048x768xf32, #tpu.memory_space<vmem>>, vector<1x2048x768xf32>,
      } else {
      }
      %ne3A = arith.constant 0 : i32
      %ne3A_79 = arith.cmpi ne, %arg2, %ne3A : i32
      %convert_element_type3A_80 = arith.extui %ne3A_79 : i1 to i32
      %cond3A_81 = arith.constant 0 : i32
      %cond3A_82 = arith.cmpi ne, %convert_element_type3A_80, %cond3A_81 : i32
      scf.if %cond3A_82 {
        %get3A_83 = arith.constant 0 : index
        %get3A_84 = arith.constant 0 : index
        %get3A_85 = arith.constant 0 : index
        %get3A_86 = vector.load %arg11[%get3A_83, %get3A_84, %get3A_85] : memref<1x2048x768xf32, #tpu.memory_space<vmem>>, vector<1x2048x768xf32>
        %get3A_87 = vector.shape_cast %get3A_86 : vector<1x2048x768xf32> to vector<2048x768xf32>
        %add3A_88 = arith.addf %get3A_87, %dot_general3A_66 : vector<2048x768xf32>
        %add3A_89 = vector.broadcast %mul3A_73 : vector<1x768xf32> to vector<2048x768xf32>
        %add3A_90 = arith.addf %add3A_88, %add3A_89 : vector<2048x768xf32>
        %swap3A_91 = arith.constant 0 : index
        %swap3A_92 = arith.constant 0 : index
        %swap3A_93 = arith.constant 0 : index
        %swap3A_94 = vector.load %arg11[%swap3A_91, %swap3A_92, %swap3A_93] : memref<1x2048x768xf32, #tpu.memory_space<vmem>>, vector<1x2048x768xf32>
        %swap3A_95 = vector.shape_cast %swap3A_94 : vector<1x2048x768xf32> to vector<2048x768xf32>
        %swap3A_96 = vector.shape_cast %add3A_90 : vector<2048x768xf32> to vector<1x2048x768xf32>
        tpu.vector_store %arg11[%swap3A_91, %swap3A_92, %swap3A_93], %swap3A_96 {strides = array<i32>} : memref<1x2048x768xf32, #tpu.memory_space<vmem>>, vector<1x2048x768xf32>,
      } else {
      }
    } else {
    }
    return
  }
  func.func @transform_0(%arg0: i32, %arg1: i32, %arg2: i32, %arg3: i32, %arg4: memref<4xi32, #tpu.memory_space<smem>>, %arg5: memref<4xf32, #tpu.memory_space<smem>>) -> (i32, i32, i32) {
    %mul3A = arith.constant 2 : i32
    %mul3A_0 = arith.muli %arg0, %mul3A : i32
    %add3A = arith.addi %mul3A_0, %arg2 : i32
    %c0_i32 = arith.constant 0 : i32
    return %add3A, %arg1, %arg3 : i32, i32, i32
  }
  func.func @transform_1(%arg0: i32, %arg1: i32, %arg2: i32, %arg3: i32, %arg4: memref<4xi32, #tpu.memory_space<smem>>, %arg5: memref<4xf32, #tpu.memory_space<smem>>) -> (i32, i32, i32) {
    %mul3A = arith.constant 2 : i32
    %mul3A_0 = arith.muli %arg0, %mul3A : i32
    %add3A = arith.addi %mul3A_0, %arg2 : i32
    %add3A_1 = arith.constant 6 : i32
    %add3A_2 = arith.addi %add3A_1, %arg3 : i32
    %c0_i32 = arith.constant 0 : i32
    %c0_i32_3 = arith.constant 0 : i32
    return %add3A, %c0_i32, %add3A_2 : i32, i32, i32
  }
  func.func @transform_2(%arg0: i32, %arg1: i32, %arg2: i32, %arg3: i32, %arg4: memref<4xi32, #tpu.memory_space<smem>>, %arg5: memref<4xf32, #tpu.memory_space<smem>>) -> (i32, i32, i32) {
    %mul3A = arith.constant 2 : i32
    %mul3A_0 = arith.muli %arg0, %mul3A : i32
    %add3A = arith.addi %mul3A_0, %arg2 : i32
    %add3A_1 = arith.constant 12 : i32
    %add3A_2 = arith.addi %add3A_1, %arg3 : i32
    %c0_i32 = arith.constant 0 : i32
    %c0_i32_3 = arith.constant 0 : i32
    return %add3A, %c0_i32, %add3A_2 : i32, i32, i32
  }
  func.func @transform_3(%arg0: i32, %arg1: i32, %arg2: i32, %arg3: i32, %arg4: memref<4xi32, #tpu.memory_space<smem>>, %arg5: memref<4xf32, #tpu.memory_space<smem>>) -> (i32, i32, i32) {
    %mul3A = arith.constant 2 : i32
    %mul3A_0 = arith.muli %arg0, %mul3A : i32
    %add3A = arith.addi %mul3A_0, %arg2 : i32
    %get3A = arith.index_cast %add3A : i32 to index
    %get3A_1 = memref.load %arg4[%get3A] : memref<4xi32, #tpu.memory_space<smem>>
    %c0_i32 = arith.constant 0 : i32
    %c0_i32_2 = arith.constant 0 : i32
    %c0_i32_3 = arith.constant 0 : i32
    return %get3A_1, %c0_i32, %c0_i32_2 : i32, i32, i32
  }
  func.func @transform_4(%arg0: i32, %arg1: i32, %arg2: i32, %arg3: i32, %arg4: memref<4xi32, #tpu.memory_space<smem>>, %arg5: memref<4xf32, #tpu.memory_space<smem>>) -> (i32, i32, i32) {
    %mul3A = arith.constant 2 : i32
    %mul3A_0 = arith.muli %arg0, %mul3A : i32
    %add3A = arith.addi %mul3A_0, %arg2 : i32
    %get3A = arith.index_cast %add3A : i32 to index
    %get3A_1 = memref.load %arg4[%get3A] : memref<4xi32, #tpu.memory_space<smem>>
    %c0_i32 = arith.constant 0 : i32
    %c0_i32_2 = arith.constant 0 : i32
    %c0_i32_3 = arith.constant 0 : i32
    return %get3A_1, %c0_i32, %c0_i32_2 : i32, i32, i32
  }
  func.func @transform_5(%arg0: i32, %arg1: i32, %arg2: i32, %arg3: i32, %arg4: memref<4xi32, #tpu.memory_space<smem>>, %arg5: memref<4xf32, #tpu.memory_space<smem>>) -> (i32, i32, i32) {
    %c0_i32 = arith.constant 0 : i32
    %c0_i32_0 = arith.constant 0 : i32
    return %arg0, %arg1, %c0_i32 : i32, i32, i32
  }
}

module attributes {stable_mosaic.version = 14 : i64} {
  func.func @_gate_kernel(%arg0: memref<2x2048x768xf32, #tpu.memory_space<vmem>>, %arg1: memref<64x768xf32, #tpu.memory_space<vmem>>, %arg2: memref<2x64xf32, #tpu.memory_space<vmem>>) attributes {dimension_semantics = [], scalar_prefetch = 0 : i64, scratch_operands = 0 : i64, tpu.core_type = #tpu.core_type<tc>} {
    %get3A = arith.constant 0 : index
    %get3A_0 = arith.constant 0 : index
    %get3A_1 = arith.constant 0 : index
    %get3A_2 = vector.load %arg0[%get3A, %get3A_0, %get3A_1] : memref<2x2048x768xf32, #tpu.memory_space<vmem>>, vector<2x2048x768xf32>
    %reduce_sum3A = arith.constant dense<0.000000e+00> : vector<2x768xf32>
    %reduce_sum3A_3 = vector.multi_reduction <add>, %get3A_2, %reduce_sum3A [1] : vector<2x2048x768xf32> to vector<2x768xf32>
    %div3A = arith.constant 2.048000e+03 : f32
    %div3A_4 = vector.broadcast %div3A : f32 to vector<2x768xf32>
    %div3A_5 = arith.divf %reduce_sum3A_3, %div3A_4 : vector<2x768xf32>
    %get3A_6 = arith.constant 0 : index
    %get3A_7 = arith.constant 0 : index
    %get3A_8 = vector.load %arg1[%get3A_6, %get3A_7] : memref<64x768xf32, #tpu.memory_space<vmem>>, vector<64x768xf32>
    %dot_general3A = arith.constant dense<0.000000e+00> : vector<2x64xf32>
    %dot_general3A_9 = tpu.matmul %div3A_5, %get3A_8, %dot_general3A {dimension_numbers = #tpu.dot_dimension_numbers<[1], [1], [0], [0], [0, 0, 1, 0], [], []>, precision = #tpu.contract_precision<fp32>, transpose_lhs_hint = false} : vector<2x768xf32>, vector<64x768xf32>, vector<2x64xf32> -> vector<2x64xf32>
    %swap3A = arith.constant 0 : index
    %swap3A_10 = arith.constant 0 : index
    %swap3A_11 = vector.load %arg2[%swap3A, %swap3A_10] : memref<2x64xf32, #tpu.memory_space<vmem>>, vector<2x64xf32>
    tpu.vector_store %arg2[%swap3A, %swap3A_10], %dot_general3A_9 {strides = array<i32>} : memref<2x64xf32, #tpu.memory_space<vmem>>, vector<2x64xf32>,
    return
  }
}

module attributes {stable_mosaic.version = 14 : i64} {
  func.func @_qkv_kernel(%arg0: i32, %arg1: i32, %arg2: memref<4xi32, #tpu.memory_space<smem>>, %arg3: memref<4xf32, #tpu.memory_space<smem>>, %arg4: memref<1x512x768xf32, #tpu.memory_space<vmem>>, %arg5: memref<1x2304x768xf32, #tpu.memory_space<vmem>>, %arg6: memref<1x1x2304xf32, #tpu.memory_space<vmem>>, %arg7: memref<1x512x2304xbf16, #tpu.memory_space<vmem>>) attributes {dimension_semantics = [#tpu.dimension_semantics<arbitrary>, #tpu.dimension_semantics<arbitrary>], iteration_bounds = array<i64: 4, 4>, scalar_prefetch = 2 : i64, scratch_operands = 0 : i64, tpu.core_type = #tpu.core_type<tc>, window_params = [{transform_indices = @transform_0, window_bounds = array<i64: 1, 512, 768>}, {transform_indices = @transform_1, window_bounds = array<i64: 1, 2304, 768>}, {transform_indices = @transform_2, window_bounds = array<i64: 1, 1, 2304>}, {transform_indices = @transform_3, window_bounds = array<i64: 1, 512, 2304>}]} {
    %get3A = arith.constant 0 : index
    %get3A_0 = arith.constant 0 : index
    %get3A_1 = arith.constant 0 : index
    %get3A_2 = vector.load %arg4[%get3A, %get3A_0, %get3A_1] : memref<1x512x768xf32, #tpu.memory_space<vmem>>, vector<1x512x768xf32>
    %get3A_3 = vector.shape_cast %get3A_2 : vector<1x512x768xf32> to vector<512x768xf32>
    %convert_element_type3A = arith.truncf %get3A_3 : vector<512x768xf32> to vector<512x768xbf16>
    %get3A_4 = arith.constant 0 : index
    %get3A_5 = arith.constant 0 : index
    %get3A_6 = arith.constant 0 : index
    %get3A_7 = vector.load %arg5[%get3A_4, %get3A_5, %get3A_6] : memref<1x2304x768xf32, #tpu.memory_space<vmem>>, vector<1x2304x768xf32>
    %get3A_8 = vector.shape_cast %get3A_7 : vector<1x2304x768xf32> to vector<2304x768xf32>
    %convert_element_type3A_9 = arith.truncf %get3A_8 : vector<2304x768xf32> to vector<2304x768xbf16>
    %dot_general3A = arith.constant dense<0.000000e+00> : vector<512x2304xf32>
    %dot_general3A_10 = tpu.matmul %convert_element_type3A, %convert_element_type3A_9, %dot_general3A {dimension_numbers = #tpu.dot_dimension_numbers<[1], [1], [0], [0], [0, 0, 1, 0], [], []>, transpose_lhs_hint = false} : vector<512x768xbf16>, vector<2304x768xbf16>, vector<512x2304xf32> -> vector<512x2304xf32>
    %get3A_11 = arith.constant 0 : index
    %get3A_12 = arith.constant 0 : index
    %get3A_13 = arith.constant 0 : index
    %get3A_14 = vector.load %arg6[%get3A_11, %get3A_12, %get3A_13] : memref<1x1x2304xf32, #tpu.memory_space<vmem>>, vector<1x1x2304xf32>
    %get3A_15 = vector.shape_cast %get3A_14 : vector<1x1x2304xf32> to vector<1x2304xf32>
    %add3A = vector.broadcast %get3A_15 : vector<1x2304xf32> to vector<512x2304xf32>
    %add3A_16 = arith.addf %dot_general3A_10, %add3A : vector<512x2304xf32>
    %iota3A = tpu.iota {dimensions = array<i32: 1>} : vector<1x2304xi32>
    %lt3A = arith.constant 768 : i32
    %lt3A_17 = vector.broadcast %lt3A : i32 to vector<1x2304xi32>
    %lt3A_18 = arith.cmpi slt, %iota3A, %lt3A_17 : vector<1x2304xi32>
    %jit3A = arith.constant 0.180336878 : f32
    %jit3A_19 = arith.constant 1.000000e+00 : f32
    %broadcast_in_dim3A = vector.broadcast %jit3A : f32 to vector<1x2304xf32>
    %broadcast_in_dim3A_20 = vector.broadcast %jit3A_19 : f32 to vector<1x2304xf32>
    %select_n3A = arith.select %lt3A_18, %broadcast_in_dim3A, %broadcast_in_dim3A_20 : vector<1x2304xi1>, vector<1x2304xf32>
    %mul3A = vector.broadcast %select_n3A : vector<1x2304xf32> to vector<512x2304xf32>
    %mul3A_21 = arith.mulf %add3A_16, %mul3A : vector<512x2304xf32>
    %convert_element_type3A_22 = arith.truncf %mul3A_21 : vector<512x2304xf32> to vector<512x2304xbf16>
    %swap3A = arith.constant 0 : index
    %swap3A_23 = arith.constant 0 : index
    %swap3A_24 = arith.constant 0 : index
    %swap3A_25 = vector.load %arg7[%swap3A, %swap3A_23, %swap3A_24] : memref<1x512x2304xbf16, #tpu.memory_space<vmem>>, vector<1x512x2304xbf16>
    %swap3A_26 = vector.shape_cast %swap3A_25 : vector<1x512x2304xbf16> to vector<512x2304xbf16>
    %swap3A_27 = vector.shape_cast %convert_element_type3A_22 : vector<512x2304xbf16> to vector<1x512x2304xbf16>
    tpu.vector_store %arg7[%swap3A, %swap3A_23, %swap3A_24], %swap3A_27 {strides = array<i32>} : memref<1x512x2304xbf16, #tpu.memory_space<vmem>>, vector<1x512x2304xbf16>,
    return
  }
  func.func @transform_0(%arg0: i32, %arg1: i32, %arg2: memref<4xi32, #tpu.memory_space<smem>>, %arg3: memref<4xf32, #tpu.memory_space<smem>>) -> (i32, i32, i32) {
    %jit3A = arith.constant 2 : i32
    %div3A = arith.divsi %arg0, %jit3A : i32
    %sign3A = arith.constant 0 : i32
    %sign3A_0 = arith.cmpi sgt, %arg0, %sign3A : i32
    %sign3A_1 = arith.extui %sign3A_0 : i1 to i32
    %sign3A_2 = arith.constant 0 : i32
    %sign3A_3 = arith.cmpi slt, %arg0, %sign3A_2 : i32
    %sign3A_4 = arith.extui %sign3A_3 : i1 to i32
    %sign3A_5 = arith.subi %sign3A_1, %sign3A_4 : i32
    %sign3A_6 = arith.constant 0 : i32
    %sign3A_7 = arith.cmpi sgt, %jit3A, %sign3A_6 : i32
    %sign3A_8 = arith.extui %sign3A_7 : i1 to i32
    %sign3A_9 = arith.constant 0 : i32
    %sign3A_10 = arith.cmpi slt, %jit3A, %sign3A_9 : i32
    %sign3A_11 = arith.extui %sign3A_10 : i1 to i32
    %sign3A_12 = arith.subi %sign3A_8, %sign3A_11 : i32
    %ne3A = arith.cmpi ne, %sign3A_5, %sign3A_12 : i32
    %rem3A = arith.remsi %arg0, %jit3A : i32
    %ne3A_13 = arith.constant 0 : i32
    %ne3A_14 = arith.cmpi ne, %rem3A, %ne3A_13 : i32
    %and3A = arith.andi %ne3A, %ne3A_14 : i1
    %sub3A = arith.constant 1 : i32
    %sub3A_15 = arith.subi %div3A, %sub3A : i32
    %select_n3A = arith.select %and3A, %sub3A_15, %div3A : i32
    %c0_i32 = arith.constant 0 : i32
    %c0_i32_16 = arith.constant 0 : i32
    return %select_n3A, %arg1, %c0_i32 : i32, i32, i32
  }
  func.func @transform_1(%arg0: i32, %arg1: i32, %arg2: memref<4xi32, #tpu.memory_space<smem>>, %arg3: memref<4xf32, #tpu.memory_space<smem>>) -> (i32, i32, i32) {
    %get3A = arith.index_cast %arg0 : i32 to index
    %get3A_0 = memref.load %arg2[%get3A] : memref<4xi32, #tpu.memory_space<smem>>
    %c0_i32 = arith.constant 0 : i32
    %c0_i32_1 = arith.constant 0 : i32
    %c0_i32_2 = arith.constant 0 : i32
    return %get3A_0, %c0_i32, %c0_i32_1 : i32, i32, i32
  }
  func.func @transform_2(%arg0: i32, %arg1: i32, %arg2: memref<4xi32, #tpu.memory_space<smem>>, %arg3: memref<4xf32, #tpu.memory_space<smem>>) -> (i32, i32, i32) {
    %get3A = arith.index_cast %arg0 : i32 to index
    %get3A_0 = memref.load %arg2[%get3A] : memref<4xi32, #tpu.memory_space<smem>>
    %c0_i32 = arith.constant 0 : i32
    %c0_i32_1 = arith.constant 0 : i32
    %c0_i32_2 = arith.constant 0 : i32
    return %get3A_0, %c0_i32, %c0_i32_1 : i32, i32, i32
  }
  func.func @transform_3(%arg0: i32, %arg1: i32, %arg2: memref<4xi32, #tpu.memory_space<smem>>, %arg3: memref<4xf32, #tpu.memory_space<smem>>) -> (i32, i32, i32) {
    %c0_i32 = arith.constant 0 : i32
    %c0_i32_0 = arith.constant 0 : i32
    return %arg0, %arg1, %c0_i32 : i32, i32, i32
  }
}

</mosaic_0001>

<sc_bundles>
// kernel: kernel.6.cloned.1.call-start
scs
__scs_entry_jumppad:
0x0: {  	(pc) =	sbr.rel $0x88, $3  }
0x1: {  	(tag) =	ssettag $0x0;
	lr =	simm.s32 $0x1  }
0x2: {  	[smem:$0x3F9B] =	sst lr;
	_ =	strace $0xD0000000  }
0x3: {  	_ = 	snop  }
0x4: {  	_ = 	snop  }
0x5: {  	_ = 	snop  }
0x6: {  	_ = 	snop  }
0x7: {  	_ = 	snop  }
__scs_overlays_trampoline_lowered:
0x8: {  	[smem:$0x3FAA] =	sst s0  }
0x9: {  	[smem:$0x3FAB] =	sst s1  }
0xa: {  	[smem:$0x3FAC] =	sst s2  }
0xb: {  	[smem:$0x3FAD] =	sst s3  }
0xc: {  	[smem:$0x3FAE] =	sst s4  }
0xd: {  	[smem:$0x3FAF] =	sst s5  }
0xe: {  	[smem:$0x3FB0] =	sst s6  }
0xf: {  	[smem:$0x3FB1] =	sst s7  }
0x10: {  	[smem:$0x3FB2] =	sst s8  }
0x11: {  	[smem:$0x3FB3] =	sst s9;
	s0 =	simm.s32 @!p0 $0x0  }
0x12: {  	s1 =	sld [smem:$0x3F99];
	s0 =	simm.s32 @p0 $0x1  }
0x13: {  	[smem:$0x3FB4] =	sst s0;
	s0 =	simm.s32 @!p1 $0x0  }
0x14: {  	s2 =	sld [smem:$0x3F98];
	s0 =	simm.s32 @p1 $0x1  }
0x15: {  	[smem:$0x3FB5] =	sst s0;
	s0 =	simm.s32 @!p2 $0x0  }
0x16: {  	s3 =	sld [smem:$0x3FDB];
	s0 =	simm.s32 @p2 $0x1  }
0x17: {  	s4 =	simm.s32 $0x1BF5;
	[smem:$0x3FB7] =	sst s0  }
0x18: {  	s0 =	sld [smem:$0x3F9A];
	_ =	swait.ge [sflag:s4], $0x0  }
0x19: {  	s7 =	sld [smem:$0x3F9B]  }
0x1a: {  	s8 =	sadd.s32 $0xFFFFE003, lr  }
0x1b: {  	s9 =	sadd.s32 $0xFFFFFEF7, lr;
	s5 =	simm.s32 $0xFFFFFFFF;
	p2 =	slt.u32 s8, $0xFFFFF086  }
0x1c: {  	p1 =	slt.u32 s9, $0xF7A;
	s5 =	simm.s32 @!p2 $0x0  }
0x1d: {  	s5 =	simm.s32 @p1 $0x1;
	p0 =	seq.s32 s7, s2  }
0x1e: {  	s7 =	smul.u32 @!p0 $0xF7A, s2;
	p2 =	seq.s32 @!p0 s5, $0x0  }
0x1f: {  	s9 =	smul.u32 $0xF7A, s1;
	s8 =	simm.s32 @!p0 $0x1BF5;
	p2 =	por !p2, p0  }
0x20: {  	[sflag:s8] =	ssyncset.s32 @!p0 $0xFFFFF086;
	s6 =	sadd.s32 @!p0 s3, s7;
	s7 =	simm.s32 @!p0 $0x108  }
0x21: {  	s3 =	sadd.s32 s3, s9;
	s6 =	sadd.s32 @!p0 $0x88, s6;
	s7 =	simm.s32 @p2 $0x1082  }
0x22: {  	[simem:s7], [sflag:s8] =	dma.local @!p0 [hbm:s6], $0xF7A  }
0x23: {  	s9 =	sor.u32 $0xD0000000, s2;
	s6 =	simm.s32 $0x108;
	_ =	swait.ge @!p0 [sflag:s8], $0x0  }
0x24: {  	s3 =	sadd.s32 $0x88, s3;
	s6 =	simm.s32 @!p1 $0x1082;
	[sflag:s4] =	ssyncset.s32 $0xFFFFF086  }
0x25: {  	[simem:s6], [sflag:s4] =	dma.local [hbm:s3], $0xF7A  }
0x26: {  	[smem:$0x3F9B] =	sst s1;
	(tag) =	ssettag s2;
	_ =	strace s9  }
0x27: {  	s1 =	sld [smem:$0x3FAB]  }
0x28: {  	s2 =	sld [smem:$0x3FAC]  }
0x29: {  	s4 =	sld [smem:$0x3FAE]  }
0x2a: {  	p0 =	seq.s32 s5, $0x0;
	s5 =	sld [smem:$0x3FAF]  }
0x2b: {  	s6 =	sld [smem:$0x3FB0]  }
0x2c: {  	s7 =	sld [smem:$0x3FB1]  }
0x2d: {  	s3 =	simm.s32 $0x108;
	s8 =	sld [smem:$0x3FB2]  }
0x2e: {  	s3 =	simm.s32 @!p0 $0x1082;
	s9 =	sld [smem:$0x3FB3]  }
0x2f: {  	lr =	sadd.s32 s0, s3;
	s0 =	sld [smem:$0x3FAA]  }
0x30: {  	s3 =	sld [smem:$0x3FAD]  }
0x31: {  	[smem:$0x3FB6] =	sst s10  }
0x32: {  	s10 =	sld [smem:$0x3FB4];
	_ =	sdelay $0x3  }
0x33: {  	p0 =	seq.s32 s10, $0x1;
	s10 =	sld [smem:$0x3FB6];
	_ =	sdelay $0x3  }
0x34: {  	[smem:$0x3FB6] =	sst s10  }
0x35: {  	s10 =	sld [smem:$0x3FB5];
	_ =	sdelay $0x3  }
0x36: {  	p1 =	seq.s32 s10, $0x1;
	s10 =	sld [smem:$0x3FB6];
	_ =	sdelay $0x3  }
0x37: {  	[smem:$0x3FB6] =	sst s10  }
0x38: {  	s10 =	sld [smem:$0x3FB7]  }
0x39: {  	_ = 	snop;
	(pc) =	sbr.ind lr, $3  }
0x3a: {  	_ = 	snop  }
0x3b: {  	_ = 	snop  }
0x3c: {  	p2 =	seq.s32 s10, $0x1;
	s10 =	sld [smem:$0x3FB6]  }
0x3d: {  	_ =	shalt  }
0x3e: {  	_ =	shalt  }
0x3f: {  	_ =	shalt  }
0x40: {  	_ =	shalt  }
0x41: {  	_ =	shalt  }
0x42: {  	_ =	shalt  }
0x43: {  	_ =	shalt  }
0x44: {  	_ =	shalt  }
0x45: {  	_ =	shalt  }
0x46: {  	_ =	shalt  }
0x47: {  	_ =	shalt  }
0x48: {  	_ =	shalt  }
0x49: {  	_ =	shalt  }
0x4a: {  	_ =	shalt  }
0x4b: {  	_ =	shalt  }
0x4c: {  	_ =	shalt  }
0x4d: {  	_ =	shalt  }
0x4e: {  	_ =	shalt  }
0x4f: {  	_ =	shalt  }
0x50: {  	_ =	shalt  }
0x51: {  	_ =	shalt  }
0x52: {  	_ =	shalt  }
0x53: {  	_ =	shalt  }
0x54: {  	_ =	shalt  }
0x55: {  	_ =	shalt  }
0x56: {  	_ =	shalt  }
0x57: {  	_ =	shalt  }
0x58: {  	_ =	shalt  }
0x59: {  	_ =	shalt  }
0x5a: {  	_ =	shalt  }
0x5b: {  	_ =	shalt  }
0x5c: {  	_ =	shalt  }
0x5d: {  	_ =	shalt  }
0x5e: {  	_ =	shalt  }
0x5f: {  	_ =	shalt  }
0x60: {  	_ =	shalt  }
0x61: {  	_ =	shalt  }
0x62: {  	_ =	shalt  }
0x63: {  	_ =	shalt  }
0x64: {  	_ =	shalt  }
0x65: {  	_ =	shalt  }
0x66: {  	_ =	shalt  }
0x67: {  	_ =	shalt  }
0x68: {  	_ =	shalt  }
0x69: {  	_ =	shalt  }
0x6a: {  	_ =	shalt  }
0x6b: {  	_ =	shalt  }
0x6c: {  	_ =	shalt  }
0x6d: {  	_ =	shalt  }
0x6e: {  	_ =	shalt  }
0x6f: {  	_ =	shalt  }
0x70: {  	_ =	shalt  }
0x71: {  	_ =	shalt  }
0x72: {  	_ =	shalt  }
0x73: {  	_ =	shalt  }
0x74: {  	_ =	shalt  }
0x75: {  	_ =	shalt  }
0x76: {  	_ =	shalt  }
0x77: {  	_ =	shalt  }
0x78: {  	_ =	shalt  }
0x79: {  	_ =	shalt  }
0x7a: {  	_ =	shalt  }
0x7b: {  	_ =	shalt  }
0x7c: {  	_ =	shalt  }
0x7d: {  	_ =	shalt  }
0x7e: {  	_ =	shalt  }
0x7f: {  	_ =	shalt  }
0x80: {  	_ =	shalt  }
0x81: {  	_ =	shalt  }
0x82: {  	_ =	shalt  }
0x83: {  	_ =	shalt  }
0x84: {  	_ =	shalt  }
0x85: {  	_ =	shalt  }
0x86: {  	_ =	shalt  }
0x87: {  	_ =	shalt  }
.Lfunc_end0:
.L_simem_size_0:
called_computation_lowered:
.L_overlay_start_0:
0x88: {  	s2 =	sld [smem:$0x3FD9]  }
0x89: {  	s3 =	sld [smem:$0x3FFE];
	_ =	sdelay $0x1  }
0x8a: {  	s1 =	srdreg.scid  }
0x8b: {  	s0 =	sand.u32 $0x1, s1  }
0x8c: {  	s14 =	sshll.u32 s0, $0xA;
	s2 =	sadd.s32 s3, s2  }
0x8d: {  	s2 =	sadd.s32 s2, s14  }
0x8e: {  	[smem:$0x3FC2] =	sst s2  }
0x8f: {  	_ = 	snop  }
0x90: {  	s2 =	sld [smem:$0x3FD0];
	_ =	sdelay $0x2  }
0x91: {  	s15 =	simm.s32 $0xA;
	s4 =	simm.s32 $0x10  }
0x92: {  	[smem:s4], [sflag:s15] =	dma.local [hbm:s2], $0x1  }
0x93: {  	_ =	swait.eq [sflag:s15], $0x1  }
0x94: {  	[sflag:s15] =	ssyncset.done $0x0  }
0x95: {  	s16 =	sld [smem:$0x10];
	[sflag:s15] =	ssyncadd.s32 $0xFFFFFFFF  }
0x96: {  	s17 =	sld [smem:$0x11];
	(tm) =	ssettm $0x1  }
0x97: {  	s18 =	sld [smem:$0x3FFB];
	_ =	sdelay $0x3  }
0x98: {  	_ =	strace s18  }
0x99: {  	s4 =	sld [smem:$0x3FFC];
	_ =	sdelay $0x3  }
0x9a: {  	_ =	strace s4  }
0x9b: {  	s4 =	sld [smem:$0x3FFD];
	_ =	sdelay $0x3  }
0x9c: {  	_ =	strace s4  }
0x9d: {  	_ =	strace $0x8FFFFFFF  }
0x9e: {  	s19 =	sld [smem:$0x3FDB];
	_ =	sdelay $0x1  }
0x9f: {  	s5 =	simm.s32 $_scs_section_size  }
0xa0: {  	s6 =	simm.s32 $_size__tile_overlayer_lowered;
	s7 =	simm.s32 $_tile_overlayer_lowered  }
0xa1: {  	s22 =	simm.s32 $0x1BFF;
	s21 =	sshll.u32 s7, $0x1;
	s4 =	sadd.s32 s5, s19  }
0xa2: {  	s8 =	simm.s32 $0x0;
	s20 =	sshll.u32 s6, $0x1;
	s6 =	sadd.s32 s21, s4  }
0xa3: {  	[timem:s8], [sflag:s22] =	dma.local [hbm:s6], s20  }
0xa4: {  	_ =	swait.ge [sflag:s22], s20  }
0xa5: {  	s5 =	ssub.s32 $0x0, s20;
	[sflag:s22] =	ssyncset.done $0x0  }
0xa6: {  	[sflag:s22] =	ssyncadd.s32 s5;
	_ =	sdelay $0x1  }
0xa7: {  	s23 =	simm.s32 $0x1B8B  }
0xa8: {  	_ =	swait.ge [sflag:s23], $0x1  }
0xa9: {  	[sflag:s23] =	ssyncset.done $0x0  }
0xaa: {  	s25 =	simm.s32 $0x1B8E;
	s24 =	sld [smem:$0x3FFE];
	[sflag:s23] =	ssyncadd.s32 $0xFFFFFFFF  }
0xab: {  	s26 =	simm.s32 $execute0_lowered;
	[smem:$0x3FD2] =	sst s25  }
0xac: {  	s6 =	sshll.u32 s26, $0x1;
	_ =	strace $0x80000046;
	[dreg:$0x1] =	wrdreg $0xFFFFFFFF  }
0xad: {  	s28 =	simm.s32 $_size_execute0_lowered;
	s4 =	sadd.s32 s4, s6;
	[dreg:$0x0] =	wrdreg $0x0  }
0xae: {  	s6 =	sshll.u32 s28, $0x1;
	[dreg:$0x2] =	wrdreg s4  }
0xaf: {  	[dreg:$0x3] =	wrdreg s6  }
0xb0: {  	[dreg:$0x4] =	wrdreg $0xC0  }
0xb1: {  	_ =	task [dreg:s8], $0x5FFFF  }
0xb2: {  	[dreg:$0x1] =	wrdreg $0xFFFFFFFF  }
0xb3: {  	[dreg:$0x0] =	wrdreg $0x60  }
0xb4: {  	[dreg:$0x2] =	wrdreg s16  }
0xb5: {  	[dreg:$0x3] =	wrdreg s24  }
0xb6: {  	[dreg:$0x4] =	wrdreg s17  }
0xb7: {  	[dreg:$0x5] =	wrdreg $0x9  }
0xb8: {  	_ =	task.clear_ibuf [dreg:s8], $0x6FFFF;
	_ =	strace $0x90000046  }
0xb9: {  	s29 =	simm.s32 $0x9;
	_ =	strace $0x80000048  }
0xba: {  	_ =	swait.ge [sflag:s29], $0x1  }
0xbb: {  	[sflag:s29] =	ssyncadd.s32 $0xFFFFFFFF  }
0xbc: {  	_ =	strace $0x90000048  }
0xbd: {  	_ =	sfence  }
0xbe: {  	s30 =	sld [smem:$0x0];
	_ =	sdelay $0x2  }
0xbf: {  	s31 =	sshll.u32 s1, $0xD;
	s1 =	sshrl.u32 s1, $0x2  }
0xc0: {  	s3 =	sand.u32 $0x4000, s31;
	s1 =	sadd.s32 s1, s30  }
0xc1: {  	s0 =	sor.u32 s3, s0;
	s1 =	sshll.u32 s1, $0x11  }
0xc2: {  	s0 =	sor.u32 s1, s0  }
0xc3: {  	s0 =	sadd.s32 $0x8F2B, s0  }
0xc4: {  	[sflag:s0] =	ssyncadd.remote.s32 $0x1  }
0xc5: {  	_ =	sfence.sel $0xFFFF  }
0xc6: {  	[dreg:$0x0] =	wrdreg $0xFFFFFFFF;
	(pc) =	sbr.abs _section_cstart, $3  }
0xc7: {  	[dreg:$0x1] =	wrdreg $0xFFFFFFFF  }
0xc8: {  	_ =	task.clear_ibuf [dreg:s8], $0x2FFFF;
	_ =	strace $0x9FFFFFFF  }
0xc9: {  	(tm) =	ssettm $0x7FFFFFFF  }
tec
execute0_lowered:
.L_overlay_start_1:
0x0: {  	(tag) =	ssettag $0x1  }
0x1: {  	s0 =	srdreg.scid  }
0x2: {  	s4 =	sand.u32 $0x1, s0;
	s0 =	stileid.u32  }
0x3: {  	s6 =	sshll.u32 s0, $0x1;
	s7 =	ssub.s32 $0x0, s4  }
0x4: {  	p0 =	sne.s32 s6, s7  }
.Ltmp0:
0x5: {  	_ = 	snop;
	(pc) =	sbr.rel @p0 .LBB2_3-.Ltmp0, $4  }
0x6: {  	s1 =	rddreg [dreg:$0x0]  }
0x7: {  	s5 =	rddreg [dreg:$0x1]  }
0x8: {  	s3 =	rddreg [dreg:$0x2]  }
0x9: {  	s2 =	rddreg [dreg:$0x3];
	_ =	strace $0x80000047  }
0xa: {  	v0 =	vimm.s32 $0xEFCDAB89;
	v1 =	vimm.s32 $0x67452301;
	v2 =	vimm.s32 $0xDCFE98BA  }
0xb: {  	v3 =	vimm.s32 $0x54761032;
	v4 =	vimm.s32 $0xBA98FEDC;
	v5 =	vimm.s32 $0x32107654  }
0xc: {  	v6 =	vimm.s32 $0xFEDCBA98;
	v7 =	vimm.s32 $0x76543210;
	vm2 =	vcmask $0xB08  }
0xd: {  	vm0 =	vcmask $0x310;
	vm3 =	vcmask $0x300;
	v8 =	vimm.s32 $0x1  }
0xe: {  	v9 =	vimm.s32 $0x3;
	vm5 =	vcmask $0x3F0C;
	vm6 =	vcmask $0x3F08  }
0xf: {  	vm7 =	vmmov $0x1;
	v10 =	vimm.s32 $0x0;
	v0 =	vunpack.c.l.s4.s8 v0  }
0x10: {  	v1 =	vunpack.c.l.s4.s8 v1;
	v2 =	vunpack.c.l.s4.s8 v2;
	v3 =	vunpack.c.l.s4.s8 v3  }
0x11: {  	v4 =	vunpack.c.l.s4.s8 v4;
	v5 =	vunpack.c.l.s4.s8 v5;
	v6 =	vunpack.c.l.s4.s8 v6  }
0x12: {  	v0 =	vunpack.c.0.s8.s32 v0;
	v1 =	vunpack.c.0.s8.s32 v1;
	v2 =	vunpack.c.0.s8.s32 v2  }
0x13: {  	v3 =	vunpack.c.0.s8.s32 v3;
	v4 =	vunpack.c.0.s8.s32 v4;
	v5 =	vunpack.c.0.s8.s32 v5  }
0x14: {  	vm0 =	vmor vm0, vm2;
	vm2 =	vmor vm3, vm2;
	v0 =	vcombine.low v1, v0  }
0x15: {  	s6 =	ssub.s32 $0x2, s4;
	v1 =	vcombine.low v3, v2;
	v2 =	vunpack.c.l.s4.s8 v7;
	v3 =	vcombine.low v5, v4  }
0x16: {  	s4 =	sadd.s32 $0x1200, s5;
	s5 =	sadd.s32 $0x1400, s5;
	s8 =	simm.s32 $0x1;
	vm3 =	vmmov $0x3;
	v4 =	vunpack.c.0.s8.s32 v6;
	v0 =	vand.u32 $0xF, v0  }
0x17: {  	s9 =	simm.s32 $0x200;
	s10 =	simm.s32 $0x280;
	s7 =	sshrl.u32 s6, $0x1;
	v5 =	vunpack.c.0.s8.s32 v2;
	v2 =	vand.u32 $0xF, v3;
	v3 =	vlaneseq.u32  }
0x18: {  	s11 =	simm.s32 $0x80;
	s12 =	simm.s32 $0x100;
	s6 =	ssub.s32 s6, s7;
	v1 =	vand.u32 $0xF, v1;
	v4 =	vand.u32 $0xF, v4;
	v6 =	vor.u32 $0x20, v3  }
0x19: {  	s13 =	simm.s32 $0x180;
	s7 =	simm.s32 $0x0;
	s6 =	smax.u32 s6, $0x1;
	v7 =	vor.u32 $0x10, v3;
	v4 =	vcombine.low v4, v5;
	v5 =	vor.u32 $0x30, v3  }
.LBB2_2:
0x1a: {  	[tilespmem:s7], [sflag:$0x1] =	stream.linear.gather [hbm4b:s1+s7], $0x80, $0x38;
	[tilespmem:$0x300] =	vst v63  }
0x1b: {  	_ =	swait.ge [sflag:s8], $0x80  }
0x1c: {  	[sflag:s8] =	ssyncset.done $0x0  }
0x1d: {  	[sflag:s8] =	ssyncadd.s32 $0xFFFFFF80  }
0x1e: {  	v13 =	vld [tilespmem:$0x0]  }
0x1f: {  	v14 =	vld [tilespmem:$0x10]  }
0x20: {  	v15 =	vld [tilespmem:$0x20]  }
0x21: {  	v16 =	vld [tilespmem:$0x30];
	_ =	sdelay $0x2  }
0x22: {  	v11 =	vmax.f32 v13, v14  }
0x23: {  	v11 =	vmax.f32 v11, v15  }
0x24: {  	v11 =	vmax.f32 v11, v16  }
0x25: {  	[tilespmem:$0x200] =	vst v11  }
0x26: {  	v12 =	vld.idx.msk [tilespmem:v0+s9+$0x0], $0xffff;
	_ =	sdelay $0x4  }
0x27: {  	v11 =	vmax.f32 v11, v12  }
0x28: {  	[tilespmem:$0x200] =	vst v11  }
0x29: {  	v32 =	vld.idx.msk [tilespmem:v1+s9+$0x0], $0xffff;
	_ =	sdelay $0x4  }
0x2a: {  	v11 =	vmax.f32 v11, v32  }
0x2b: {  	[tilespmem:$0x200] =	vst v11  }
0x2c: {  	v33 =	vld.idx.msk [tilespmem:v2+s9+$0x0], $0xffff;
	_ =	sdelay $0x4  }
0x2d: {  	v11 =	vmax.f32 v11, v33  }
0x2e: {  	[tilespmem:$0x200] =	vst v11  }
0x2f: {  	v34 =	vld.idx.msk [tilespmem:v4+s9+$0x0], $0xffff;
	_ =	sdelay $0x4  }
0x30: {  	v12 =	vmax.f32 v11, v34  }
0x31: {  	vm8 =	veq.f32 v16, v12  }
0x32: {  	vm9 =	veq.f32 v15, v12;
	v11 =	vnsel vm8, $0x40, v5  }
0x33: {  	vm8 =	veq.f32 v14, v12;
	v11 =	vsel vm9, v6, v11  }
0x34: {  	vm15 =	veq.f32 v13, v12;
	v11 =	vsel vm8, v7, v11  }
0x35: {  	v11 =	vsel vm15, v3, v11  }
0x36: {  	[tilespmem:$0x280] =	vst v11  }
0x37: {  	v17 =	vld.idx.msk [tilespmem:v0+s10+$0x0], $0xffff;
	_ =	sdelay $0x4  }
0x38: {  	vm8 =	vlt.s32 v11, v17  }
0x39: {  	v11 =	vsel vm8, v11, v17  }
0x3a: {  	[tilespmem:$0x280] =	vst v11  }
0x3b: {  	v35 =	vld.idx.msk [tilespmem:v1+s10+$0x0], $0xffff;
	_ =	sdelay $0x4  }
0x3c: {  	vm8 =	vlt.s32 v11, v35  }
0x3d: {  	v11 =	vsel vm8, v11, v35  }
0x3e: {  	[tilespmem:$0x280] =	vst v11  }
0x3f: {  	v36 =	vld.idx.msk [tilespmem:v2+s10+$0x0], $0xffff;
	_ =	sdelay $0x4  }
0x40: {  	vm8 =	vlt.s32 v11, v36  }
0x41: {  	v11 =	vsel vm8, v11, v36  }
0x42: {  	[tilespmem:$0x280] =	vst v11  }
0x43: {  	v37 =	vld.idx.msk [tilespmem:v4+s10+$0x0], $0xffff;
	_ =	sdelay $0x4  }
0x44: {  	vm8 =	vlt.s32 v11, v37  }
0x45: {  	v11 =	vsel vm8, v11, v37  }
0x46: {  	vm11 =	veq.s32 v11, v3;
	vm10 =	veq.s32 v11, v7  }
0x47: {  	vm9 =	veq.s32 v11, v6;
	v13 =	vsel vm11, $0xFF800000, v13;
	v14 =	vsel vm10, $0xFF800000, v14  }
0x48: {  	vm8 =	veq.s32 v11, v5;
	v15 =	vsel vm9, $0xFF800000, v15;
	v38 =	vmax.f32 v13, v14  }
0x49: {  	v16 =	vsel vm8, $0xFF800000, v16;
	v17 =	vmax.f32 v38, v15  }
0x4a: {  	v17 =	vmax.f32 v17, v16  }
0x4b: {  	[tilespmem:$0x200] =	vst v17  }
0x4c: {  	v18 =	vld.idx.msk [tilespmem:v0+s9+$0x0], $0xffff;
	_ =	sdelay $0x4  }
0x4d: {  	v17 =	vmax.f32 v17, v18  }
0x4e: {  	[tilespmem:$0x200] =	vst v17  }
0x4f: {  	v39 =	vld.idx.msk [tilespmem:v1+s9+$0x0], $0xffff;
	_ =	sdelay $0x4  }
0x50: {  	v17 =	vmax.f32 v17, v39  }
0x51: {  	[tilespmem:$0x200] =	vst v17  }
0x52: {  	v40 =	vld.idx.msk [tilespmem:v2+s9+$0x0], $0xffff;
	_ =	sdelay $0x4  }
0x53: {  	v17 =	vmax.f32 v17, v40  }
0x54: {  	[tilespmem:$0x200] =	vst v17  }
0x55: {  	v41 =	vld.idx.msk [tilespmem:v4+s9+$0x0], $0xffff;
	_ =	sdelay $0x4  }
0x56: {  	v17 =	vmax.f32 v17, v41  }
0x57: {  	vm12 =	veq.f32 v16, v17  }
0x58: {  	vm13 =	veq.f32 v15, v17;
	v42 =	vnsel vm12, $0x40, v5  }
0x59: {  	vm12 =	veq.f32 v14, v17;
	v43 =	vsel vm13, v6, v42  }
0x5a: {  	vm13 =	veq.f32 v13, v17;
	v44 =	vsel vm12, v7, v43  }
0x5b: {  	v13 =	vsel vm13, v3, v44  }
0x5c: {  	[tilespmem:$0x280] =	vst v13  }
0x5d: {  	v45 =	vld.idx.msk [tilespmem:v0+s10+$0x0], $0xffff;
	_ =	sdelay $0x4  }
0x5e: {  	vm12 =	vlt.s32 v13, v45  }
0x5f: {  	v13 =	vsel vm12, v13, v45  }
0x60: {  	[tilespmem:$0x280] =	vst v13  }
0x61: {  	v46 =	vld.idx.msk [tilespmem:v1+s10+$0x0], $0xffff;
	_ =	sdelay $0x4  }
0x62: {  	vm12 =	vlt.s32 v13, v46  }
0x63: {  	v48 =	vld [tilespmem:$0x40];
	v13 =	vsel vm12, v13, v46  }
0x64: {  	v49 =	vld [tilespmem:$0x50];
	[tilespmem:$0x280] =	vst v13  }
0x65: {  	v47 =	vld.idx.msk [tilespmem:v2+s10+$0x0], $0xffff  }
0x66: {  	v50 =	vld [tilespmem:$0x60]  }
0x67: {  	v19 =	vld [tilespmem:$0x70];
	_ =	sdelay $0x2  }
0x68: {  	v51 =	vmax.f32 v48, v49;
	vm12 =	vlt.s32 v13, v47  }
0x69: {  	v14 =	vmax.f32 v51, v50;
	v13 =	vsel vm12, v13, v47  }
0x6a: {  	v14 =	vmax.f32 v14, v19;
	[tilespmem:$0x280] =	vst v13  }
0x6b: {  	v20 =	vld.idx.msk [tilespmem:v4+s10+$0x0], $0xffff;
	[tilespmem:$0x200] =	vst v14  }
0x6c: {  	v21 =	vld.idx.msk [tilespmem:v0+s9+$0x0], $0xffff;
	_ =	sdelay $0x4  }
0x6d: {  	v14 =	vmax.f32 v14, v21  }
0x6e: {  	[tilespmem:$0x200] =	vst v14  }
0x6f: {  	v52 =	vld.idx.msk [tilespmem:v1+s9+$0x0], $0xffff;
	_ =	sdelay $0x4  }
0x70: {  	v14 =	vmax.f32 v14, v52  }
0x71: {  	[tilespmem:$0x200] =	vst v14  }
0x72: {  	v53 =	vld.idx.msk [tilespmem:v2+s9+$0x0], $0xffff;
	_ =	sdelay $0x4  }
0x73: {  	v14 =	vmax.f32 v14, v53  }
0x74: {  	[tilespmem:$0x200] =	vst v14  }
0x75: {  	v54 =	vld.idx.msk [tilespmem:v4+s9+$0x0], $0xffff;
	_ =	sdelay $0x4  }
0x76: {  	v14 =	vmax.f32 v14, v54  }
0x77: {  	vm12 =	veq.f32 v19, v14  }
0x78: {  	vm13 =	veq.f32 v50, v14;
	v55 =	vnsel vm12, $0x40, v5  }
0x79: {  	vm12 =	veq.f32 v49, v14;
	v21 =	vsel vm13, v6, v55  }
0x7a: {  	vm13 =	veq.f32 v48, v14;
	v21 =	vsel vm12, v7, v21  }
0x7b: {  	v21 =	vsel vm13, v3, v21  }
0x7c: {  	[tilespmem:$0x280] =	vst v21  }
0x7d: {  	v22 =	vld.idx.msk [tilespmem:v0+s10+$0x0], $0xffff;
	_ =	sdelay $0x4  }
0x7e: {  	vm12 =	vlt.s32 v21, v22  }
0x7f: {  	v21 =	vsel vm12, v21, v22  }
0x80: {  	[tilespmem:$0x280] =	vst v21  }
0x81: {  	v56 =	vld.idx.msk [tilespmem:v1+s10+$0x0], $0xffff;
	_ =	sdelay $0x4  }
0x82: {  	vm12 =	vlt.s32 v21, v56  }
0x83: {  	v21 =	vsel vm12, v21, v56  }
0x84: {  	[tilespmem:$0x280] =	vst v21  }
0x85: {  	v57 =	vld.idx.msk [tilespmem:v2+s10+$0x0], $0xffff;
	_ =	sdelay $0x4  }
0x86: {  	vm12 =	vlt.s32 v21, v57  }
0x87: {  	v21 =	vsel vm12, v21, v57  }
0x88: {  	[tilespmem:$0x280] =	vst v21  }
0x89: {  	v58 =	vld.idx.msk [tilespmem:v4+s10+$0x0], $0xffff;
	_ =	sdelay $0x4  }
0x8a: {  	vm12 =	vlt.s32 v21, v58  }
0x8b: {  	v21 =	vsel vm12, v21, v58  }
0x8c: {  	vm15 =	veq.s32 v21, v3;
	vm14 =	veq.s32 v21, v7  }
0x8d: {  	vm13 =	veq.s32 v21, v6;
	v15 =	vsel vm15, $0xFF800000, v48;
	v16 =	vsel vm14, $0xFF800000, v49  }
0x8e: {  	vm12 =	veq.s32 v21, v5;
	v18 =	vsel vm13, $0xFF800000, v50;
	v59 =	vmax.f32 v15, v16  }
0x8f: {  	v19 =	vsel vm12, $0xFF800000, v19;
	v22 =	vmax.f32 v59, v18  }
0x90: {  	v22 =	vmax.f32 v22, v19  }
0x91: {  	[tilespmem:$0x200] =	vst v22  }
0x92: {  	v23 =	vld.idx.msk [tilespmem:v0+s9+$0x0], $0xffff;
	_ =	sdelay $0x4  }
0x93: {  	v22 =	vmax.f32 v22, v23  }
0x94: {  	[tilespmem:$0x200] =	vst v22  }
0x95: {  	v60 =	vld.idx.msk [tilespmem:v1+s9+$0x0], $0xffff;
	_ =	sdelay $0x4  }
0x96: {  	v22 =	vmax.f32 v22, v60  }
0x97: {  	[tilespmem:$0x200] =	vst v22  }
0x98: {  	v61 =	vld.idx.msk [tilespmem:v2+s9+$0x0], $0xffff;
	_ =	sdelay $0x4  }
0x99: {  	v22 =	vmax.f32 v22, v61  }
0x9a: {  	[tilespmem:$0x200] =	vst v22  }
0x9b: {  	v62 =	vld.idx.msk [tilespmem:v4+s9+$0x0], $0xffff;
	_ =	sdelay $0x4  }
0x9c: {  	v22 =	vmax.f32 v22, v62  }
0x9d: {  	vm1 =	veq.f32 v19, v22  }
0x9e: {  	vm4 =	veq.f32 v18, v22;
	v63 =	vnsel vm1, $0x40, v5  }
0x9f: {  	vm1 =	veq.f32 v16, v22;
	v18 =	vsel vm4, v6, v63  }
0xa0: {  	vm4 =	veq.f32 v15, v22;
	v23 =	vsel vm1, v7, v18  }
0xa1: {  	v15 =	vsel vm4, v3, v23  }
0xa2: {  	[tilespmem:$0x280] =	vst v15  }
0xa3: {  	v24 =	vld.idx.msk [tilespmem:v0+s10+$0x0], $0xffff;
	_ =	sdelay $0x4  }
0xa4: {  	vm1 =	vlt.s32 v15, v24  }
0xa5: {  	v15 =	vsel vm1, v15, v24  }
0xa6: {  	[tilespmem:$0x280] =	vst v15  }
0xa7: {  	v14 =	vsub.f32 v22, v14;
	v25 =	vld.idx.msk [tilespmem:v1+s10+$0x0], $0xffff  }
0xa8: {  	v12 =	vsub.f32 v17, v12  }
0xa9: {  	v14 =	vsel vm0, $0x0, v14;
	vm1 =	vcmask $0x308  }
0xaa: {  	v12 =	vsel vm1, v14, v12  }
0xab: {  	v12 =	vmul.f32 $1.442695020e+00, v12  }
0xac: {  	vm1 =	vlt.s32 v15, v25  }
0xad: {  	(erf) = vpow2.f32 v12;
	v26 =	vsel vm1, v15, v25  }
0xae: {  	[tilespmem:$0x280] =	vst v26  }
0xaf: {  	v27 =	vld.idx.msk [tilespmem:v2+s10+$0x0], $0xffff;
	_ =	sdelay $0x4  }
0xb0: {  	vm1 =	vlt.s32 v26, v27  }
0xb1: {  	v12 =	vsel vm1, v26, v27  }
0xb2: {  	v29 =	vpop (erf);
	[tilespmem:$0x280] =	vst v12  }
0xb3: {  	v28 =	vld.idx.msk [tilespmem:v4+s10+$0x0], $0xffff;
	[tilespmem:$0x200] =	vst v29  }
0xb4: {  	v30 =	vld.idx.msk [tilespmem:v8+s9+$0x0], $0xffff  }
0xb5: {  	v33 =	vsel vm11, $0x3F800000, v10;
	v36 =	vsel vm10, $0x3F800000, v10;
	vm1 =	vlt.s32 v13, v20;
	v31 =	vld.idx.msk [tilespmem:v9+s9+$0x0], $0xffff  }
0xb6: {  	v41 =	vsel vm9, $0x3F800000, v10;
	v45 =	vsel vm8, $0x3F800000, v10;
	v13 =	vsel vm1, v13, v20  }
0xb7: {  	v35 =	vsel vm15, $0x3F800000, v10;
	v39 =	vsel vm14, $0x3F800000, v10;
	vm1 =	veq.s32 v13, v3  }
0xb8: {  	v43 =	vsel vm13, $0x3F800000, v10;
	v48 =	vsel vm12, $0x3F800000, v10;
	v34 =	vsel vm1, $0x3F800000, v10  }
0xb9: {  	vm1 =	veq.s32 v13, v7;
	v16 =	vadd.f32 v34, v33;
	vm4 =	vlt.s32 v12, v28  }
0xba: {  	v37 =	vsel vm1, $0x3F800000, v10;
	v12 =	vsel vm4, v12, v28;
	v32 =	vsel vm3, v30, v31  }
0xbb: {  	vm4 =	veq.s32 v13, v6;
	v14 =	vadd.f32 $1.000000000e+00, v32;
	vm1 =	veq.s32 v12, v3  }
0xbc: {  	v16 =	vadd.f32 v35, v16;
	v42 =	vsel vm4, $0x3F800000, v10;
	v38 =	vsel vm1, $0x3F800000, v10  }
0xbd: {  	vm1 =	veq.s32 v12, v7;
	(erf) = vrcp.f32 v14;
	v14 =	vadd.f32 v37, v36  }
0xbe: {  	v44 =	vadd.f32 v42, v41;
	v40 =	vsel vm1, $0x3F800000, v10;
	vm1 =	veq.s32 v13, v5  }
0xbf: {  	v46 =	vsel vm1, $0x3F800000, v10;
	vm1 =	veq.s32 v12, v6;
	v14 =	vadd.f32 v39, v14  }
0xc0: {  	v16 =	vadd.f32 v38, v16;
	v17 =	vadd.f32 v43, v44;
	v47 =	vsel vm1, $0x3F800000, v10  }
0xc1: {  	v18 =	vadd.f32 v46, v45;
	vm1 =	veq.s32 v12, v5;
	v14 =	vadd.f32 v40, v14  }
0xc2: {  	v16 =	vmul.f32 $4.999999890e-03, v16;
	v17 =	vadd.f32 v47, v17;
	v49 =	vsel vm1, $0x3F800000, v10  }
0xc3: {  	vm1 =	vcmask $0x3F10;
	v18 =	vadd.f32 v48, v18;
	v14 =	vmul.f32 $4.999999890e-03, v14  }
0xc4: {  	v12 =	vsel vm1, $0x0, v12  }
0xc5: {  	v17 =	vmul.f32 $4.999999890e-03, v17;
	v18 =	vadd.f32 v49, v18;
	v51 =	vadd.f32 v14, v16  }
0xc6: {  	v15 =	vsel vm2, $0x3F800000, v29;
	v12 =	vsel vm5, v12, v21  }
0xc7: {  	v12 =	vsel vm6, v12, v13;
	v18 =	vmul.f32 $4.999999890e-03, v18;
	v50 =	vpop (erf);
	v19 =	vadd.f32 v51, v17  }
0xc8: {  	v11 =	vsel vm7, v11, v12;
	v15 =	vmul.f32 v50, v15  }
0xc9: {  	[tilespmem:$0x80] =	vst v11;
	v52 =	vadd.f32 v19, v18  }
0xca: {  	[tilespmem:$0x100] =	vst v15  }
0xcb: {  	[tilespmem:$0x200] =	vst v52  }
0xcc: {  	v11 =	vld.idx.msk [tilespmem:v0+s9+$0x0], $0xffff;
	_ =	sdelay $0x4  }
0xcd: {  	v11 =	vadd.f32 v52, v11;
	_ =	sdelay $0x1  }
0xce: {  	[tilespmem:$0x200] =	vst v11  }
0xcf: {  	v53 =	vld.idx.msk [tilespmem:v1+s9+$0x0], $0xffff;
	_ =	sdelay $0x4  }
0xd0: {  	v11 =	vadd.f32 v11, v53;
	_ =	sdelay $0x1  }
0xd1: {  	[tilespmem:$0x200] =	vst v11  }
0xd2: {  	v54 =	vld.idx.msk [tilespmem:v2+s9+$0x0], $0xffff;
	_ =	sdelay $0x4  }
0xd3: {  	v11 =	vadd.f32 v11, v54;
	_ =	sdelay $0x1  }
0xd4: {  	[tilespmem:$0x200] =	vst v11  }
0xd5: {  	v55 =	vld.idx.msk [tilespmem:v4+s9+$0x0], $0xffff;
	_ =	sdelay $0x4  }
0xd6: {  	v11 =	vadd.f32 v11, v55;
	_ =	sdelay $0x1  }
0xd7: {  	v11 =	vadd.f32 $9.999999710e-10, v11;
	_ =	sdelay $0x1  }
0xd8: {  	(erf) = vrcp.f32 v11;
	_ =	sdelay $0x8  }
0xd9: {  	v11 =	vpop (erf)  }
0xda: {  	v56 =	vmul.f32 v11, v16;
	v57 =	vmul.f32 v11, v14  }
0xdb: {  	v58 =	vmul.f32 v11, v17  }
0xdc: {  	v12 =	vmul.f32 v56, v56;
	v13 =	vmul.f32 v57, v57;
	_ =	sdelay $0x1  }
0xdd: {  	v11 =	vmul.f32 v11, v18;
	v59 =	vmul.f32 v58, v58;
	v12 =	vadd.f32 v13, v12;
	_ =	sdelay $0x1  }
0xde: {  	v11 =	vmul.f32 v11, v11;
	v12 =	vadd.f32 v12, v59;
	_ =	sdelay $0x1  }
0xdf: {  	v11 =	vadd.f32 v12, v11;
	_ =	sdelay $0x1  }
0xe0: {  	[tilespmem:$0x200] =	vst v11  }
0xe1: {  	v60 =	vld.idx.msk [tilespmem:v0+s9+$0x0], $0xffff;
	_ =	sdelay $0x4  }
0xe2: {  	v11 =	vadd.f32 v11, v60;
	_ =	sdelay $0x1  }
0xe3: {  	[tilespmem:$0x200] =	vst v11  }
0xe4: {  	v61 =	vld.idx.msk [tilespmem:v1+s9+$0x0], $0xffff;
	_ =	sdelay $0x4  }
0xe5: {  	v11 =	vadd.f32 v11, v61;
	_ =	sdelay $0x1  }
0xe6: {  	[tilespmem:$0x200] =	vst v11  }
0xe7: {  	v62 =	vld.idx.msk [tilespmem:v2+s9+$0x0], $0xffff;
	_ =	sdelay $0x4  }
0xe8: {  	v11 =	vadd.f32 v11, v62;
	_ =	sdelay $0x1  }
0xe9: {  	[tilespmem:$0x200] =	vst v11  }
0xea: {  	v63 =	vld.idx.msk [tilespmem:v4+s9+$0x0], $0xffff;
	_ =	sdelay $0x4  }
0xeb: {  	v11 =	vadd.f32 v11, v63;
	_ =	sdelay $0x1  }
0xec: {  	v11 =	vmul.f32 $6.400000000e+01, v11;
	_ =	sdelay $0x1  }
0xed: {  	v11 =	vnsel vm7, $0x0, v11  }
0xee: {  	[tilespmem:$0x180] =	vst v11  }
0xef: {  	[hbm4b:s4+s7] =	stream.linear.scatter [tilespmem:s11], [sflag:$0x1], $0x80, $0x38;
	[tilespmem:$0x300] =	vst v63  }
0xf0: {  	_ =	swait.ge [sflag:s8], $0x80  }
0xf1: {  	[sflag:s8] =	ssyncset.done $0x0  }
0xf2: {  	[sflag:s8] =	ssyncadd.s32 $0xFFFFFF80  }
0xf3: {  	[hbm4b:s5+s7] =	stream.linear.scatter [tilespmem:s12], [sflag:$0x1], $0x80, $0x38;
	[tilespmem:$0x300] =	vst v63  }
0xf4: {  	_ =	swait.ge [sflag:s8], $0x80  }
0xf5: {  	p0 =	sne.s32 s6, $0x1;
	[sflag:s8] =	ssyncset.done $0x0  }
.Ltmp1:
0xf6: {  	[sflag:s8] =	ssyncadd.s32 $0xFFFFFF80;
	(pc) =	sbr.rel @p0 .LBB2_2-.Ltmp1, $4  }
0xf7: {  	[hbm4b:s3+s7] =	stream.linear.scatter [tilespmem:s13], [sflag:$0x1], $0x80, $0x38;
	[tilespmem:$0x300] =	vst v63  }
0xf8: {  	_ =	swait.ge [sflag:s8], $0x80  }
0xf9: {  	[sflag:s8] =	ssyncset.done $0x0  }
0xfa: {  	s6 =	sadd.s32 $0xFFFFFFFF, s6;
	[sflag:s8] =	ssyncadd.s32 $0xFFFFFF80  }
.LBB2_3:
0xfb: {  	_ =	sfence.sel $0x180000  }
0xfc: {  	[bflag:$0x0] =	sbarrier.arrive $0xFFFF  }
0xfd: {  	p0 =	sne.s32 s0, $0x0;
	_ =	strace $0x90000047  }
0xfe: {  	s0 =	sadd.s32 @!p0 $0x100000, s2;
	[bflag:$0x2] =	sbarrier.arrive $0xFFFF  }
0xff: {  	[sflag:s0] =	ssyncadd.tile.s32 @!p0 $0x1;
	_ =	shalt  }
.Lfunc_end2:
_tile_overlayer_lowered:
.L_overlay_start_2:
0x100: {  	(tag) =	ssettag $0x2  }
0x101: {  	s0 =	rddreg [dreg:$0x0];
	s2 =	stileid.u32  }
0x102: {  	s1 =	rddreg [dreg:$0x1];
	p0 =	sne.s32 s2, $0x0  }
0x103: {  	s3 =	rddreg [dreg:$0x2];
	[bflag:$0x3] =	sbarrier.arrive $0xFFFF;
	s2 =	simm.s32 @!p0 $0x1C01  }
0x104: {  	[timem:s3], [sflag:s2] =	dma.local @!p0 [hbm:s0], s1  }
0x105: {  	s0 =	simm.s32 @!p0 $0x1  }
0x106: {  	_ =	swait.ge @!p0 [sflag:s0], s1  }
0x107: {  	s1 =	ssub.s32 @!p0 $0x0, s1;
	[sflag:s0] =	ssyncset.done @!p0 $0x0  }
0x108: {  	[sflag:s0] =	ssyncadd.s32 @!p0 s1  }
0x109: {  	[bflag:$0x3] =	sbarrier.arrive $0xFFFF  }
0x10a: {  	_ =	shalt  }

</sc_bundles>
